<compile_context>
chip_gen: v7x
topology: tpu7x:2x2x1
jax: 0.10.2.dev20260603
libtpu: 0.0.44.dev20260713+nightly
codegen_flags: <defaults>
</compile_context>

<pallas_src>
import functools

import jax
import jax.numpy as jnp
from jax import lax
from jax.experimental import pallas as pl
from jax.experimental.pallas import tpu as pltpu
from jax.experimental.pallas import tpu_sc as plsc

_NC, _NS, _L = 2, 16, 16
_NW = _NC * _NS
_SIGN = 0x80000000


def _search16(vals_ref, rep_ref, qkey, qf, base, n, steps, idx_bias):
    lo = jnp.full((_L,), base, jnp.int32)
    hi = jnp.full((_L,), base + n, jnp.int32)
    for _ in range(steps):
        mid = jnp.minimum((lo + hi) >> 1, base + n - 1)
        v = plsc.bitcast(plsc.load_gather(vals_ref, [mid]), jnp.uint32)
        pred = v < qkey
        lo = jnp.where(pred, mid + 1, lo)
        hi = jnp.where(pred, hi, mid)
    k = lo
    left = jnp.maximum(k - 1, base)
    right = jnp.minimum(k, base + n - 1)
    mag = jnp.uint32(0x7FFFFFFF)
    vl = plsc.bitcast(
        plsc.bitcast(plsc.load_gather(vals_ref, [left]), jnp.uint32) & mag,
        jnp.float32)
    vr = plsc.bitcast(
        plsc.bitcast(plsc.load_gather(vals_ref, [right]), jnp.uint32) & mag,
        jnp.float32)
    inf = jnp.full((_L,), jnp.inf, jnp.float32)
    dl = jnp.where(k == base, inf, jnp.abs(vl - qf))
    dr = jnp.where(k == base + n, inf, jnp.abs(vr - qf))
    rl = plsc.load_gather(rep_ref, [left]) & 0xFFF
    rr = plsc.load_gather(rep_ref, [right]) & 0xFFF
    idx = jnp.where(dl < dr, rl,
                    jnp.where(dr < dl, rr, jnp.minimum(rl, rr)))
    return idx - idx_bias


@functools.cache
def _build_sc_kernel(q, w, h):
    qw = q // _NW
    assert qw % 128 == 0
    n2 = w + h
    steps_w = w.bit_length()
    steps_h = h.bit_length()
    mesh = plsc.VectorSubcoreMesh(
        core_axis_name="c", subcore_axis_name="s",
        num_cores=_NC, num_subcores=_NS)

    @functools.partial(
        pl.kernel,
        out_type=jax.ShapeDtypeStruct((q,), jnp.float32),
        mesh=mesh,
        compiler_params=pltpu.CompilerParams(needs_layout_passes=False),
        scratch_types=[
            pltpu.VMEM((n2,), jnp.int32),
            pltpu.VMEM((n2,), jnp.int32),
            pltpu.VMEM((qw,), jnp.float32),
            pltpu.VMEM((qw,), jnp.float32),
            pltpu.VMEM((qw,), jnp.int32),
            pltpu.VMEM((qw,), jnp.float32),
            pltpu.SemaphoreType.DMA,
        ],
    )
    def sc_kernel(lon_hbm, lat_hbm, keys_hbm, rep_hbm, vw_hbm, out_hbm,
                  keys_v, rep_v, lon_v, lat_v, idx_v, val_v, sem):
        wid = lax.axis_index("s") * _NC + lax.axis_index("c")
        base = wid * qw
        stage = [
            pltpu.async_copy(keys_hbm, keys_v, sem),
            pltpu.async_copy(rep_hbm, rep_v, sem),
            pltpu.async_copy(lon_hbm.at[pl.ds(base, qw)], lon_v, sem),
            pltpu.async_copy(lat_hbm.at[pl.ds(base, qw)], lat_v, sem),
        ]
        for c in stage:
            c.wait()

        @plsc.parallel_loop(0, qw // _L, step=1, unroll=1)
        def q_body(t):
            off = t * _L
            lon16 = lon_v[pl.ds(off, _L)]
            lat16 = lat_v[pl.ds(off, _L)]
            klon = plsc.bitcast(lon16, jnp.uint32)
            klat = plsc.bitcast(lat16, jnp.uint32) | jnp.uint32(_SIGN)
            i_idx = _search16(keys_v, rep_v, klon, lon16, 0, w, steps_w, 0)
            j_idx = _search16(keys_v, rep_v, klat, lat16, w, h, steps_h, w)
            p = (((i_idx >> 3) * (h // 128) + (j_idx >> 7)) << 10) \
                | ((i_idx & 7) << 7) | (j_idx & 127)
            idx_v[pl.ds(off, _L)] = p

        gathers = [
            pltpu.async_copy(
                vw_hbm.at[idx_v.at[pl.ds(c * 128, 128)]],
                val_v.at[pl.ds(c * 128, 128)], sem)
            for c in range(qw // 128)
        ]
        for c in gathers:
            c.wait()
        pltpu.sync_copy(val_v, out_hbm.at[pl.ds(base, qw)])

    return sc_kernel


def kernel(lon, lat, x_coords, y_coords, vertex_weights):
    w, h = vertex_weights.shape
    q = lon.shape[0]
    n2 = w + h
    keys = jnp.concatenate([
        lax.bitcast_convert_type(x_coords, jnp.uint32),
        lax.bitcast_convert_type(y_coords, jnp.uint32) | jnp.uint32(_SIGN),
    ])
    iota = jnp.arange(n2, dtype=jnp.int32)
    svals, sidx = lax.sort((keys, iota), num_keys=2)
    new_run = jnp.concatenate(
        [jnp.ones((1,), jnp.bool_), svals[1:] != svals[:-1]])
    packed = jnp.where(new_run, (iota << 12) | sidx, 0)
    rep = lax.cummax(packed)
    keys_i32 = lax.bitcast_convert_type(svals, jnp.int32)
    vw_phys = vertex_weights.reshape(w // 8, 8, h // 128, 128) \
        .transpose(0, 2, 1, 3).reshape(-1)
    sc = _build_sc_kernel(q, w, h)
    return sc(lon, lat, keys_i32, rep, vw_phys)

# --- scband reference (transcript-rebuilt; emitter-appended) ---
"""Pipeline reference for scband-raster-graph-56255481643051 (READ-ONLY COPY).

The authoritative reference and input builder live on the scoring server;
editing this copy changes nothing except your own understanding.
"""

import jax, jax.numpy as jnp
import numpy as np

W = 2048
H = 2048
Q = 16384

def setup_inputs(seed: int = 0) -> dict:
    key = jax.random.key(seed)
    k1, k2, k3, k4, k5 = jax.random.split(key, 5)
    lon = jax.random.uniform(k1, (Q,), dtype=jnp.float32)
    lat = jax.random.uniform(k2, (Q,), dtype=jnp.float32)
    x_coords = jax.random.uniform(k3, (W,), dtype=jnp.float32)
    y_coords = jax.random.uniform(k4, (H,), dtype=jnp.float32)
    vertex_weights = jax.random.normal(k5, (W, H), dtype=jnp.float32)
    return {
        'lon': lon,
        'lat': lat,
        'x_coords': x_coords,
        'y_coords': y_coords,
        'vertex_weights': vertex_weights,
    }

def reference(lon, lat, x_coords, y_coords, vertex_weights):
    # RasterGraph.loc(lon, lat): 1-NN index lookup on each coordinate axis,
    # then gather from the vertex weight raster (iloc).
    i = jnp.abs(x_coords.reshape(-1, 1) - lon).argmin(axis=0)
    j = jnp.abs(y_coords.reshape(-1, 1) - lat).argmin(axis=0)
    return vertex_weights[i, j]

if __name__ == "__main__":
    import jax
    _d = setup_inputs()
    print(jax.jit(kernel)(*tuple(_d.values())))

</pallas_src>

<mosaic_0001>
#map = affine_map<(d0, d1) -> (0)>
module attributes {stable_mosaic.version = 14 : i64} {
  func.func @sc_kernel(%arg0: i32, %arg1: i32, %arg2: memref<16384xf32, #tpu.memory_space<hbm>>, %arg3: memref<16384xf32, #tpu.memory_space<hbm>>, %arg4: memref<4096xi32, #tpu.memory_space<hbm>>, %arg5: memref<4096xi32, #tpu.memory_space<hbm>>, %arg6: memref<4194304xf32, #tpu.memory_space<hbm>>, %arg7: memref<16384xf32, #tpu.memory_space<hbm>>, %arg8: memref<4096xi32, #tpu.memory_space<vmem>>, %arg9: memref<4096xi32, #tpu.memory_space<vmem>>, %arg10: memref<512xf32, #tpu.memory_space<vmem>>, %arg11: memref<512xf32, #tpu.memory_space<vmem>>, %arg12: memref<512xi32, #tpu.memory_space<vmem>>, %arg13: memref<512xf32, #tpu.memory_space<vmem>>, %arg14: memref<!tpu.dma_semaphore, #tpu.memory_space<semaphore_mem>>) attributes {dimension_semantics = [#tpu.dimension_semantics<core_parallel>, #tpu.dimension_semantics<subcore_parallel>], iteration_bounds = array<i64: 2, 16>, scalar_prefetch = 0 : i64, scratch_operands = 7 : i64, tpu.core_type = #tpu.core_type<sc_vector_subcore>, window_params = [{transform_indices = #map}, {transform_indices = #map}, {transform_indices = #map}, {transform_indices = #map}, {transform_indices = #map}, {transform_indices = #map}]} {
    %mul3A = arith.constant 2 : i32
    %mul3A_0 = arith.muli %arg1, %mul3A : i32
    %add3A = arith.addi %mul3A_0, %arg0 : i32
    %mul3A_1 = arith.constant 512 : i32
    %mul3A_2 = arith.muli %add3A, %mul3A_1 : i32
    tpu.enqueue_dma source(%arg4 : memref<4096xi32, #tpu.memory_space<hbm>>) target(%arg8 : memref<4096xi32, #tpu.memory_space<vmem>>) target_semaphore(%arg14 : memref<!tpu.dma_semaphore, #tpu.memory_space<semaphore_mem>>)
    tpu.enqueue_dma source(%arg5 : memref<4096xi32, #tpu.memory_space<hbm>>) target(%arg9 : memref<4096xi32, #tpu.memory_space<vmem>>) target_semaphore(%arg14 : memref<!tpu.dma_semaphore, #tpu.memory_space<semaphore_mem>>)
    %dma_start3A = tpu.memref_slice %arg2[%mul3A_2] : memref<16384xf32, #tpu.memory_space<hbm>> -> memref<512xf32, #tpu.memory_space<hbm>>
    %dma_start3A_3 = tpu.memref_slice %arg2[%mul3A_2] : memref<16384xf32, #tpu.memory_space<hbm>> -> memref<512xf32, #tpu.memory_space<hbm>>
    tpu.enqueue_dma source(%dma_start3A_3 : memref<512xf32, #tpu.memory_space<hbm>>) target(%arg10 : memref<512xf32, #tpu.memory_space<vmem>>) target_semaphore(%arg14 : memref<!tpu.dma_semaphore, #tpu.memory_space<semaphore_mem>>)
    %dma_start3A_4 = tpu.memref_slice %arg3[%mul3A_2] : memref<16384xf32, #tpu.memory_space<hbm>> -> memref<512xf32, #tpu.memory_space<hbm>>
    %dma_start3A_5 = tpu.memref_slice %arg3[%mul3A_2] : memref<16384xf32, #tpu.memory_space<hbm>> -> memref<512xf32, #tpu.memory_space<hbm>>
    tpu.enqueue_dma source(%dma_start3A_5 : memref<512xf32, #tpu.memory_space<hbm>>) target(%arg11 : memref<512xf32, #tpu.memory_space<vmem>>) target_semaphore(%arg14 : memref<!tpu.dma_semaphore, #tpu.memory_space<semaphore_mem>>)
    tpu.wait_dma2 semaphore(%arg14 : memref<!tpu.dma_semaphore, #tpu.memory_space<semaphore_mem>>) src(%arg4 : memref<4096xi32, #tpu.memory_space<hbm>>) dst(%arg8 : memref<4096xi32, #tpu.memory_space<vmem>>)
    tpu.wait_dma2 semaphore(%arg14 : memref<!tpu.dma_semaphore, #tpu.memory_space<semaphore_mem>>) src(%arg5 : memref<4096xi32, #tpu.memory_space<hbm>>) dst(%arg9 : memref<4096xi32, #tpu.memory_space<vmem>>)
    %dma_wait3A = tpu.memref_slice %arg2[%mul3A_2] : memref<16384xf32, #tpu.memory_space<hbm>> -> memref<512xf32, #tpu.memory_space<hbm>>
    %dma_wait3A_6 = tpu.memref_slice %arg2[%mul3A_2] : memref<16384xf32, #tpu.memory_space<hbm>> -> memref<512xf32, #tpu.memory_space<hbm>>
    tpu.wait_dma2 semaphore(%arg14 : memref<!tpu.dma_semaphore, #tpu.memory_space<semaphore_mem>>) src(%dma_wait3A_6 : memref<512xf32, #tpu.memory_space<hbm>>) dst(%arg10 : memref<512xf32, #tpu.memory_space<vmem>>)
    %dma_wait3A_7 = tpu.memref_slice %arg3[%mul3A_2] : memref<16384xf32, #tpu.memory_space<hbm>> -> memref<512xf32, #tpu.memory_space<hbm>>
    %dma_wait3A_8 = tpu.memref_slice %arg3[%mul3A_2] : memref<16384xf32, #tpu.memory_space<hbm>> -> memref<512xf32, #tpu.memory_space<hbm>>
    tpu.wait_dma2 semaphore(%arg14 : memref<!tpu.dma_semaphore, #tpu.memory_space<semaphore_mem>>) src(%dma_wait3A_8 : memref<512xf32, #tpu.memory_space<hbm>>) dst(%arg11 : memref<512xf32, #tpu.memory_space<vmem>>)
    %parallel_loop3A = arith.constant 0 : i32
    %parallel_loop3A_9 = arith.constant 32 : i32
    %parallel_loop3A_10 = arith.constant 1 : i32
    scf.for %parallel_loop3A_59 = %parallel_loop3A to %parallel_loop3A_9 step %parallel_loop3A_10  : i32 {
      %parallel_loop3A_60 = arith.constant 16 : i32
      %parallel_loop3A_61 = arith.muli %parallel_loop3A_59, %parallel_loop3A_60 : i32
      %parallel_loop3A_62 = arith.index_cast %parallel_loop3A_61 : i32 to index
      %parallel_loop3A_63 = tpu.vector_load %arg10[%parallel_loop3A_62] {strides = array<i32>} : memref<512xf32, #tpu.memory_space<vmem>>, vector<16xf32>,
      %parallel_loop3A_64 = arith.index_cast %parallel_loop3A_61 : i32 to index
      %parallel_loop3A_65 = tpu.vector_load %arg11[%parallel_loop3A_64] {strides = array<i32>} : memref<512xf32, #tpu.memory_space<vmem>>, vector<16xf32>,
      %parallel_loop3A_66 = vector.bitcast %parallel_loop3A_63 : vector<16xf32> to vector<16xi32>
      %parallel_loop3A_67 = vector.bitcast %parallel_loop3A_65 : vector<16xf32> to vector<16xi32>
      %parallel_loop3A_68 = arith.constant -2147483648 : i32
      %parallel_loop3A_69 = vector.broadcast %parallel_loop3A_68 : i32 to vector<16xi32>
      %parallel_loop3A_70 = arith.ori %parallel_loop3A_67, %parallel_loop3A_69 : vector<16xi32>
      %parallel_loop3A_71 = arith.constant 0 : i32
      %parallel_loop3A_72 = vector.broadcast %parallel_loop3A_71 : i32 to vector<16xi32>
      %parallel_loop3A_73 = arith.constant 2048 : i32
      %parallel_loop3A_74 = vector.broadcast %parallel_loop3A_73 : i32 to vector<16xi32>
      %parallel_loop3A_75 = arith.addi %parallel_loop3A_72, %parallel_loop3A_74 : vector<16xi32>
      %parallel_loop3A_76 = arith.constant 1 : i32
      %parallel_loop3A_77 = vector.broadcast %parallel_loop3A_76 : i32 to vector<16xi32>
      %parallel_loop3A_78 = arith.shrsi %parallel_loop3A_75, %parallel_loop3A_77 : vector<16xi32>
      %parallel_loop3A_79 = arith.constant 2047 : i32
      %parallel_loop3A_80 = vector.broadcast %parallel_loop3A_79 : i32 to vector<16xi32>
      %parallel_loop3A_81 = arith.minsi %parallel_loop3A_78, %parallel_loop3A_80 : vector<16xi32>
      %parallel_loop3A_82 = tpu.vector_load_idx %arg8[%parallel_loop3A_81] : memref<4096xi32, #tpu.memory_space<vmem>>[vector<16xi32>], vector<16xi32>,
      %parallel_loop3A_83 = vector.bitcast %parallel_loop3A_82 : vector<16xi32> to vector<16xi32>
      %parallel_loop3A_84 = arith.cmpi ult, %parallel_loop3A_83, %parallel_loop3A_66 : vector<16xi32>
      %parallel_loop3A_85 = arith.constant 1 : i32
      %parallel_loop3A_86 = vector.broadcast %parallel_loop3A_85 : i32 to vector<16xi32>
      %parallel_loop3A_87 = arith.addi %parallel_loop3A_81, %parallel_loop3A_86 : vector<16xi32>
      %parallel_loop3A_88 = arith.select %parallel_loop3A_84, %parallel_loop3A_87, %parallel_loop3A_72 : vector<16xi1>, vector<16xi32>
      %parallel_loop3A_89 = arith.select %parallel_loop3A_84, %parallel_loop3A_74, %parallel_loop3A_81 : vector<16xi1>, vector<16xi32>
      %parallel_loop3A_90 = arith.addi %parallel_loop3A_88, %parallel_loop3A_89 : vector<16xi32>
      %parallel_loop3A_91 = arith.constant 1 : i32
      %parallel_loop3A_92 = vector.broadcast %parallel_loop3A_91 : i32 to vector<16xi32>
      %parallel_loop3A_93 = arith.shrsi %parallel_loop3A_90, %parallel_loop3A_92 : vector<16xi32>
      %parallel_loop3A_94 = arith.constant 2047 : i32
      %parallel_loop3A_95 = vector.broadcast %parallel_loop3A_94 : i32 to vector<16xi32>
      %parallel_loop3A_96 = arith.minsi %parallel_loop3A_93, %parallel_loop3A_95 : vector<16xi32>
      %parallel_loop3A_97 = tpu.vector_load_idx %arg8[%parallel_loop3A_96] : memref<4096xi32, #tpu.memory_space<vmem>>[vector<16xi32>], vector<16xi32>,
      %parallel_loop3A_98 = vector.bitcast %parallel_loop3A_97 : vector<16xi32> to vector<16xi32>
      %parallel_loop3A_99 = arith.cmpi ult, %parallel_loop3A_98, %parallel_loop3A_66 : vector<16xi32>
      %parallel_loop3A_100 = arith.constant 1 : i32
      %parallel_loop3A_101 = vector.broadcast %parallel_loop3A_100 : i32 to vector<16xi32>
      %parallel_loop3A_102 = arith.addi %parallel_loop3A_96, %parallel_loop3A_101 : vector<16xi32>
      %parallel_loop3A_103 = arith.select %parallel_loop3A_99, %parallel_loop3A_102, %parallel_loop3A_88 : vector<16xi1>, vector<16xi32>
      %parallel_loop3A_104 = arith.select %parallel_loop3A_99, %parallel_loop3A_89, %parallel_loop3A_96 : vector<16xi1>, vector<16xi32>
      %parallel_loop3A_105 = arith.addi %parallel_loop3A_103, %parallel_loop3A_104 : vector<16xi32>
      %parallel_loop3A_106 = arith.constant 1 : i32
      %parallel_loop3A_107 = vector.broadcast %parallel_loop3A_106 : i32 to vector<16xi32>
      %parallel_loop3A_108 = arith.shrsi %parallel_loop3A_105, %parallel_loop3A_107 : vector<16xi32>
      %parallel_loop3A_109 = arith.constant 2047 : i32
      %parallel_loop3A_110 = vector.broadcast %parallel_loop3A_109 : i32 to vector<16xi32>
      %parallel_loop3A_111 = arith.minsi %parallel_loop3A_108, %parallel_loop3A_110 : vector<16xi32>
      %parallel_loop3A_112 = tpu.vector_load_idx %arg8[%parallel_loop3A_111] : memref<4096xi32, #tpu.memory_space<vmem>>[vector<16xi32>], vector<16xi32>,
      %parallel_loop3A_113 = vector.bitcast %parallel_loop3A_112 : vector<16xi32> to vector<16xi32>
      %parallel_loop3A_114 = arith.cmpi ult, %parallel_loop3A_113, %parallel_loop3A_66 : vector<16xi32>
      %parallel_loop3A_115 = arith.constant 1 : i32
      %parallel_loop3A_116 = vector.broadcast %parallel_loop3A_115 : i32 to vector<16xi32>
      %parallel_loop3A_117 = arith.addi %parallel_loop3A_111, %parallel_loop3A_116 : vector<16xi32>
      %parallel_loop3A_118 = arith.select %parallel_loop3A_114, %parallel_loop3A_117, %parallel_loop3A_103 : vector<16xi1>, vector<16xi32>
      %parallel_loop3A_119 = arith.select %parallel_loop3A_114, %parallel_loop3A_104, %parallel_loop3A_111 : vector<16xi1>, vector<16xi32>
      %parallel_loop3A_120 = arith.addi %parallel_loop3A_118, %parallel_loop3A_119 : vector<16xi32>
      %parallel_loop3A_121 = arith.constant 1 : i32
      %parallel_loop3A_122 = vector.broadcast %parallel_loop3A_121 : i32 to vector<16xi32>
      %parallel_loop3A_123 = arith.shrsi %parallel_loop3A_120, %parallel_loop3A_122 : vector<16xi32>
      %parallel_loop3A_124 = arith.constant 2047 : i32
      %parallel_loop3A_125 = vector.broadcast %parallel_loop3A_124 : i32 to vector<16xi32>
      %parallel_loop3A_126 = arith.minsi %parallel_loop3A_123, %parallel_loop3A_125 : vector<16xi32>
      %parallel_loop3A_127 = tpu.vector_load_idx %arg8[%parallel_loop3A_126] : memref<4096xi32, #tpu.memory_space<vmem>>[vector<16xi32>], vector<16xi32>,
      %parallel_loop3A_128 = vector.bitcast %parallel_loop3A_127 : vector<16xi32> to vector<16xi32>
      %parallel_loop3A_129 = arith.cmpi ult, %parallel_loop3A_128, %parallel_loop3A_66 : vector<16xi32>
      %parallel_loop3A_130 = arith.constant 1 : i32
      %parallel_loop3A_131 = vector.broadcast %parallel_loop3A_130 : i32 to vector<16xi32>
      %parallel_loop3A_132 = arith.addi %parallel_loop3A_126, %parallel_loop3A_131 : vector<16xi32>
      %parallel_loop3A_133 = arith.select %parallel_loop3A_129, %parallel_loop3A_132, %parallel_loop3A_118 : vector<16xi1>, vector<16xi32>
      %parallel_loop3A_134 = arith.select %parallel_loop3A_129, %parallel_loop3A_119, %parallel_loop3A_126 : vector<16xi1>, vector<16xi32>
      %parallel_loop3A_135 = arith.addi %parallel_loop3A_133, %parallel_loop3A_134 : vector<16xi32>
      %parallel_loop3A_136 = arith.constant 1 : i32
      %parallel_loop3A_137 = vector.broadcast %parallel_loop3A_136 : i32 to vector<16xi32>
      %parallel_loop3A_138 = arith.shrsi %parallel_loop3A_135, %parallel_loop3A_137 : vector<16xi32>
      %parallel_loop3A_139 = arith.constant 2047 : i32
      %parallel_loop3A_140 = vector.broadcast %parallel_loop3A_139 : i32 to vector<16xi32>
      %parallel_loop3A_141 = arith.minsi %parallel_loop3A_138, %parallel_loop3A_140 : vector<16xi32>
      %parallel_loop3A_142 = tpu.vector_load_idx %arg8[%parallel_loop3A_141] : memref<4096xi32, #tpu.memory_space<vmem>>[vector<16xi32>], vector<16xi32>,
      %parallel_loop3A_143 = vector.bitcast %parallel_loop3A_142 : vector<16xi32> to vector<16xi32>
      %parallel_loop3A_144 = arith.cmpi ult, %parallel_loop3A_143, %parallel_loop3A_66 : vector<16xi32>
      %parallel_loop3A_145 = arith.constant 1 : i32
      %parallel_loop3A_146 = vector.broadcast %parallel_loop3A_145 : i32 to vector<16xi32>
      %parallel_loop3A_147 = arith.addi %parallel_loop3A_141, %parallel_loop3A_146 : vector<16xi32>
      %parallel_loop3A_148 = arith.select %parallel_loop3A_144, %parallel_loop3A_147, %parallel_loop3A_133 : vector<16xi1>, vector<16xi32>
      %parallel_loop3A_149 = arith.select %parallel_loop3A_144, %parallel_loop3A_134, %parallel_loop3A_141 : vector<16xi1>, vector<16xi32>
      %parallel_loop3A_150 = arith.addi %parallel_loop3A_148, %parallel_loop3A_149 : vector<16xi32>
      %parallel_loop3A_151 = arith.constant 1 : i32
      %parallel_loop3A_152 = vector.broadcast %parallel_loop3A_151 : i32 to vector<16xi32>
      %parallel_loop3A_153 = arith.shrsi %parallel_loop3A_150, %parallel_loop3A_152 : vector<16xi32>
      %parallel_loop3A_154 = arith.constant 2047 : i32
      %parallel_loop3A_155 = vector.broadcast %parallel_loop3A_154 : i32 to vector<16xi32>
      %parallel_loop3A_156 = arith.minsi %parallel_loop3A_153, %parallel_loop3A_155 : vector<16xi32>
      %parallel_loop3A_157 = tpu.vector_load_idx %arg8[%parallel_loop3A_156] : memref<4096xi32, #tpu.memory_space<vmem>>[vector<16xi32>], vector<16xi32>,
      %parallel_loop3A_158 = vector.bitcast %parallel_loop3A_157 : vector<16xi32> to vector<16xi32>
      %parallel_loop3A_159 = arith.cmpi ult, %parallel_loop3A_158, %parallel_loop3A_66 : vector<16xi32>
      %parallel_loop3A_160 = arith.constant 1 : i32
      %parallel_loop3A_161 = vector.broadcast %parallel_loop3A_160 : i32 to vector<16xi32>
      %parallel_loop3A_162 = arith.addi %parallel_loop3A_156, %parallel_loop3A_161 : vector<16xi32>
      %parallel_loop3A_163 = arith.select %parallel_loop3A_159, %parallel_loop3A_162, %parallel_loop3A_148 : vector<16xi1>, vector<16xi32>
      %parallel_loop3A_164 = arith.select %parallel_loop3A_159, %parallel_loop3A_149, %parallel_loop3A_156 : vector<16xi1>, vector<16xi32>
      %parallel_loop3A_165 = arith.addi %parallel_loop3A_163, %parallel_loop3A_164 : vector<16xi32>
      %parallel_loop3A_166 = arith.constant 1 : i32
      %parallel_loop3A_167 = vector.broadcast %parallel_loop3A_166 : i32 to vector<16xi32>
      %parallel_loop3A_168 = arith.shrsi %parallel_loop3A_165, %parallel_loop3A_167 : vector<16xi32>
      %parallel_loop3A_169 = arith.constant 2047 : i32
      %parallel_loop3A_170 = vector.broadcast %parallel_loop3A_169 : i32 to vector<16xi32>
      %parallel_loop3A_171 = arith.minsi %parallel_loop3A_168, %parallel_loop3A_170 : vector<16xi32>
      %parallel_loop3A_172 = tpu.vector_load_idx %arg8[%parallel_loop3A_171] : memref<4096xi32, #tpu.memory_space<vmem>>[vector<16xi32>], vector<16xi32>,
      %parallel_loop3A_173 = vector.bitcast %parallel_loop3A_172 : vector<16xi32> to vector<16xi32>
      %parallel_loop3A_174 = arith.cmpi ult, %parallel_loop3A_173, %parallel_loop3A_66 : vector<16xi32>
      %parallel_loop3A_175 = arith.constant 1 : i32
      %parallel_loop3A_176 = vector.broadcast %parallel_loop3A_175 : i32 to vector<16xi32>
      %parallel_loop3A_177 = arith.addi %parallel_loop3A_171, %parallel_loop3A_176 : vector<16xi32>
      %parallel_loop3A_178 = arith.select %parallel_loop3A_174, %parallel_loop3A_177, %parallel_loop3A_163 : vector<16xi1>, vector<16xi32>
      %parallel_loop3A_179 = arith.select %parallel_loop3A_174, %parallel_loop3A_164, %parallel_loop3A_171 : vector<16xi1>, vector<16xi32>
      %parallel_loop3A_180 = arith.addi %parallel_loop3A_178, %parallel_loop3A_179 : vector<16xi32>
      %parallel_loop3A_181 = arith.constant 1 : i32
      %parallel_loop3A_182 = vector.broadcast %parallel_loop3A_181 : i32 to vector<16xi32>
      %parallel_loop3A_183 = arith.shrsi %parallel_loop3A_180, %parallel_loop3A_182 : vector<16xi32>
      %parallel_loop3A_184 = arith.constant 2047 : i32
      %parallel_loop3A_185 = vector.broadcast %parallel_loop3A_184 : i32 to vector<16xi32>
      %parallel_loop3A_186 = arith.minsi %parallel_loop3A_183, %parallel_loop3A_185 : vector<16xi32>
      %parallel_loop3A_187 = tpu.vector_load_idx %arg8[%parallel_loop3A_186] : memref<4096xi32, #tpu.memory_space<vmem>>[vector<16xi32>], vector<16xi32>,
      %parallel_loop3A_188 = vector.bitcast %parallel_loop3A_187 : vector<16xi32> to vector<16xi32>
      %parallel_loop3A_189 = arith.cmpi ult, %parallel_loop3A_188, %parallel_loop3A_66 : vector<16xi32>
      %parallel_loop3A_190 = arith.constant 1 : i32
      %parallel_loop3A_191 = vector.broadcast %parallel_loop3A_190 : i32 to vector<16xi32>
      %parallel_loop3A_192 = arith.addi %parallel_loop3A_186, %parallel_loop3A_191 : vector<16xi32>
      %parallel_loop3A_193 = arith.select %parallel_loop3A_189, %parallel_loop3A_192, %parallel_loop3A_178 : vector<16xi1>, vector<16xi32>
      %parallel_loop3A_194 = arith.select %parallel_loop3A_189, %parallel_loop3A_179, %parallel_loop3A_186 : vector<16xi1>, vector<16xi32>
      %parallel_loop3A_195 = arith.addi %parallel_loop3A_193, %parallel_loop3A_194 : vector<16xi32>
      %parallel_loop3A_196 = arith.constant 1 : i32
      %parallel_loop3A_197 = vector.broadcast %parallel_loop3A_196 : i32 to vector<16xi32>
      %parallel_loop3A_198 = arith.shrsi %parallel_loop3A_195, %parallel_loop3A_197 : vector<16xi32>
      %parallel_loop3A_199 = arith.constant 2047 : i32
      %parallel_loop3A_200 = vector.broadcast %parallel_loop3A_199 : i32 to vector<16xi32>
      %parallel_loop3A_201 = arith.minsi %parallel_loop3A_198, %parallel_loop3A_200 : vector<16xi32>
      %parallel_loop3A_202 = tpu.vector_load_idx %arg8[%parallel_loop3A_201] : memref<4096xi32, #tpu.memory_space<vmem>>[vector<16xi32>], vector<16xi32>,
      %parallel_loop3A_203 = vector.bitcast %parallel_loop3A_202 : vector<16xi32> to vector<16xi32>
      %parallel_loop3A_204 = arith.cmpi ult, %parallel_loop3A_203, %parallel_loop3A_66 : vector<16xi32>
      %parallel_loop3A_205 = arith.constant 1 : i32
      %parallel_loop3A_206 = vector.broadcast %parallel_loop3A_205 : i32 to vector<16xi32>
      %parallel_loop3A_207 = arith.addi %parallel_loop3A_201, %parallel_loop3A_206 : vector<16xi32>
      %parallel_loop3A_208 = arith.select %parallel_loop3A_204, %parallel_loop3A_207, %parallel_loop3A_193 : vector<16xi1>, vector<16xi32>
      %parallel_loop3A_209 = arith.select %parallel_loop3A_204, %parallel_loop3A_194, %parallel_loop3A_201 : vector<16xi1>, vector<16xi32>
      %parallel_loop3A_210 = arith.addi %parallel_loop3A_208, %parallel_loop3A_209 : vector<16xi32>
      %parallel_loop3A_211 = arith.constant 1 : i32
      %parallel_loop3A_212 = vector.broadcast %parallel_loop3A_211 : i32 to vector<16xi32>
      %parallel_loop3A_213 = arith.shrsi %parallel_loop3A_210, %parallel_loop3A_212 : vector<16xi32>
      %parallel_loop3A_214 = arith.constant 2047 : i32
      %parallel_loop3A_215 = vector.broadcast %parallel_loop3A_214 : i32 to vector<16xi32>
      %parallel_loop3A_216 = arith.minsi %parallel_loop3A_213, %parallel_loop3A_215 : vector<16xi32>
      %parallel_loop3A_217 = tpu.vector_load_idx %arg8[%parallel_loop3A_216] : memref<4096xi32, #tpu.memory_space<vmem>>[vector<16xi32>], vector<16xi32>,
      %parallel_loop3A_218 = vector.bitcast %parallel_loop3A_217 : vector<16xi32> to vector<16xi32>
      %parallel_loop3A_219 = arith.cmpi ult, %parallel_loop3A_218, %parallel_loop3A_66 : vector<16xi32>
      %parallel_loop3A_220 = arith.constant 1 : i32
      %parallel_loop3A_221 = vector.broadcast %parallel_loop3A_220 : i32 to vector<16xi32>
      %parallel_loop3A_222 = arith.addi %parallel_loop3A_216, %parallel_loop3A_221 : vector<16xi32>
      %parallel_loop3A_223 = arith.select %parallel_loop3A_219, %parallel_loop3A_222, %parallel_loop3A_208 : vector<16xi1>, vector<16xi32>
      %parallel_loop3A_224 = arith.select %parallel_loop3A_219, %parallel_loop3A_209, %parallel_loop3A_216 : vector<16xi1>, vector<16xi32>
      %parallel_loop3A_225 = arith.addi %parallel_loop3A_223, %parallel_loop3A_224 : vector<16xi32>
      %parallel_loop3A_226 = arith.constant 1 : i32
      %parallel_loop3A_227 = vector.broadcast %parallel_loop3A_226 : i32 to vector<16xi32>
      %parallel_loop3A_228 = arith.shrsi %parallel_loop3A_225, %parallel_loop3A_227 : vector<16xi32>
      %parallel_loop3A_229 = arith.constant 2047 : i32
      %parallel_loop3A_230 = vector.broadcast %parallel_loop3A_229 : i32 to vector<16xi32>
      %parallel_loop3A_231 = arith.minsi %parallel_loop3A_228, %parallel_loop3A_230 : vector<16xi32>
      %parallel_loop3A_232 = tpu.vector_load_idx %arg8[%parallel_loop3A_231] : memref<4096xi32, #tpu.memory_space<vmem>>[vector<16xi32>], vector<16xi32>,
      %parallel_loop3A_233 = vector.bitcast %parallel_loop3A_232 : vector<16xi32> to vector<16xi32>
      %parallel_loop3A_234 = arith.cmpi ult, %parallel_loop3A_233, %parallel_loop3A_66 : vector<16xi32>
      %parallel_loop3A_235 = arith.constant 1 : i32
      %parallel_loop3A_236 = vector.broadcast %parallel_loop3A_235 : i32 to vector<16xi32>
      %parallel_loop3A_237 = arith.addi %parallel_loop3A_231, %parallel_loop3A_236 : vector<16xi32>
      %parallel_loop3A_238 = arith.select %parallel_loop3A_234, %parallel_loop3A_237, %parallel_loop3A_223 : vector<16xi1>, vector<16xi32>
      %parallel_loop3A_239 = arith.select %parallel_loop3A_234, %parallel_loop3A_224, %parallel_loop3A_231 : vector<16xi1>, vector<16xi32>
      %parallel_loop3A_240 = arith.addi %parallel_loop3A_238, %parallel_loop3A_239 : vector<16xi32>
      %parallel_loop3A_241 = arith.constant 1 : i32
      %parallel_loop3A_242 = vector.broadcast %parallel_loop3A_241 : i32 to vector<16xi32>
      %parallel_loop3A_243 = arith.shrsi %parallel_loop3A_240, %parallel_loop3A_242 : vector<16xi32>
      %parallel_loop3A_244 = arith.constant 2047 : i32
      %parallel_loop3A_245 = vector.broadcast %parallel_loop3A_244 : i32 to vector<16xi32>
      %parallel_loop3A_246 = arith.minsi %parallel_loop3A_243, %parallel_loop3A_245 : vector<16xi32>
      %parallel_loop3A_247 = tpu.vector_load_idx %arg8[%parallel_loop3A_246] : memref<4096xi32, #tpu.memory_space<vmem>>[vector<16xi32>], vector<16xi32>,
      %parallel_loop3A_248 = vector.bitcast %parallel_loop3A_247 : vector<16xi32> to vector<16xi32>
      %parallel_loop3A_249 = arith.cmpi ult, %parallel_loop3A_248, %parallel_loop3A_66 : vector<16xi32>
      %parallel_loop3A_250 = arith.constant 1 : i32
      %parallel_loop3A_251 = vector.broadcast %parallel_loop3A_250 : i32 to vector<16xi32>
      %parallel_loop3A_252 = arith.addi %parallel_loop3A_246, %parallel_loop3A_251 : vector<16xi32>
      %parallel_loop3A_253 = arith.select %parallel_loop3A_249, %parallel_loop3A_252, %parallel_loop3A_238 : vector<16xi1>, vector<16xi32>
      %parallel_loop3A_254 = arith.select %parallel_loop3A_249, %parallel_loop3A_239, %parallel_loop3A_246 : vector<16xi1>, vector<16xi32>
      %parallel_loop3A_255 = arith.constant 1 : i32
      %parallel_loop3A_256 = vector.broadcast %parallel_loop3A_255 : i32 to vector<16xi32>
      %parallel_loop3A_257 = arith.subi %parallel_loop3A_253, %parallel_loop3A_256 : vector<16xi32>
      %parallel_loop3A_258 = arith.constant 0 : i32
      %parallel_loop3A_259 = vector.broadcast %parallel_loop3A_258 : i32 to vector<16xi32>
      %parallel_loop3A_260 = arith.maxsi %parallel_loop3A_257, %parallel_loop3A_259 : vector<16xi32>
      %parallel_loop3A_261 = arith.constant 2047 : i32
      %parallel_loop3A_262 = vector.broadcast %parallel_loop3A_261 : i32 to vector<16xi32>
      %parallel_loop3A_263 = arith.minsi %parallel_loop3A_253, %parallel_loop3A_262 : vector<16xi32>
      %parallel_loop3A_264 = tpu.vector_load_idx %arg8[%parallel_loop3A_260] : memref<4096xi32, #tpu.memory_space<vmem>>[vector<16xi32>], vector<16xi32>,
      %parallel_loop3A_265 = vector.bitcast %parallel_loop3A_264 : vector<16xi32> to vector<16xi32>
      %parallel_loop3A_266 = arith.constant 2147483647 : i32
      %parallel_loop3A_267 = vector.broadcast %parallel_loop3A_266 : i32 to vector<16xi32>
      %parallel_loop3A_268 = arith.andi %parallel_loop3A_265, %parallel_loop3A_267 : vector<16xi32>
      %parallel_loop3A_269 = vector.bitcast %parallel_loop3A_268 : vector<16xi32> to vector<16xf32>
      %parallel_loop3A_270 = tpu.vector_load_idx %arg8[%parallel_loop3A_263] : memref<4096xi32, #tpu.memory_space<vmem>>[vector<16xi32>], vector<16xi32>,
      %parallel_loop3A_271 = vector.bitcast %parallel_loop3A_270 : vector<16xi32> to vector<16xi32>
      %parallel_loop3A_272 = arith.constant 2147483647 : i32
      %parallel_loop3A_273 = vector.broadcast %parallel_loop3A_272 : i32 to vector<16xi32>
      %parallel_loop3A_274 = arith.andi %parallel_loop3A_271, %parallel_loop3A_273 : vector<16xi32>
      %parallel_loop3A_275 = vector.bitcast %parallel_loop3A_274 : vector<16xi32> to vector<16xf32>
      %parallel_loop3A_276 = arith.constant 0x7F800000 : f32
      %parallel_loop3A_277 = vector.broadcast %parallel_loop3A_276 : f32 to vector<16xf32>
      %parallel_loop3A_278 = arith.constant 0 : i32
      %parallel_loop3A_279 = vector.broadcast %parallel_loop3A_278 : i32 to vector<16xi32>
      %parallel_loop3A_280 = arith.cmpi eq, %parallel_loop3A_253, %parallel_loop3A_279 : vector<16xi32>
      %parallel_loop3A_281 = arith.subf %parallel_loop3A_269, %parallel_loop3A_63 : vector<16xf32>
      %parallel_loop3A_282 = math.absf %parallel_loop3A_281 : vector<16xf32>
      %parallel_loop3A_283 = arith.select %parallel_loop3A_280, %parallel_loop3A_277, %parallel_loop3A_282 : vector<16xi1>, vector<16xf32>
      %parallel_loop3A_284 = arith.constant 2048 : i32
      %parallel_loop3A_285 = vector.broadcast %parallel_loop3A_284 : i32 to vector<16xi32>
      %parallel_loop3A_286 = arith.cmpi eq, %parallel_loop3A_253, %parallel_loop3A_285 : vector<16xi32>
      %parallel_loop3A_287 = arith.subf %parallel_loop3A_275, %parallel_loop3A_63 : vector<16xf32>
      %parallel_loop3A_288 = math.absf %parallel_loop3A_287 : vector<16xf32>
      %parallel_loop3A_289 = arith.select %parallel_loop3A_286, %parallel_loop3A_277, %parallel_loop3A_288 : vector<16xi1>, vector<16xf32>
      %parallel_loop3A_290 = tpu.vector_load_idx %arg9[%parallel_loop3A_260] : memref<4096xi32, #tpu.memory_space<vmem>>[vector<16xi32>], vector<16xi32>,
      %parallel_loop3A_291 = arith.constant 4095 : i32
      %parallel_loop3A_292 = vector.broadcast %parallel_loop3A_291 : i32 to vector<16xi32>
      %parallel_loop3A_293 = arith.andi %parallel_loop3A_290, %parallel_loop3A_292 : vector<16xi32>
      %parallel_loop3A_294 = tpu.vector_load_idx %arg9[%parallel_loop3A_263] : memref<4096xi32, #tpu.memory_space<vmem>>[vector<16xi32>], vector<16xi32>,
      %parallel_loop3A_295 = arith.constant 4095 : i32
      %parallel_loop3A_296 = vector.broadcast %parallel_loop3A_295 : i32 to vector<16xi32>
      %parallel_loop3A_297 = arith.andi %parallel_loop3A_294, %parallel_loop3A_296 : vector<16xi32>
      %parallel_loop3A_298 = arith.cmpf olt, %parallel_loop3A_283, %parallel_loop3A_289 : vector<16xf32>
      %parallel_loop3A_299 = arith.cmpf olt, %parallel_loop3A_289, %parallel_loop3A_283 : vector<16xf32>
      %parallel_loop3A_300 = arith.minsi %parallel_loop3A_293, %parallel_loop3A_297 : vector<16xi32>
      %parallel_loop3A_301 = arith.select %parallel_loop3A_299, %parallel_loop3A_297, %parallel_loop3A_300 : vector<16xi1>, vector<16xi32>
      %parallel_loop3A_302 = arith.select %parallel_loop3A_298, %parallel_loop3A_293, %parallel_loop3A_301 : vector<16xi1>, vector<16xi32>
      %parallel_loop3A_303 = arith.constant 0 : i32
      %parallel_loop3A_304 = vector.broadcast %parallel_loop3A_303 : i32 to vector<16xi32>
      %parallel_loop3A_305 = arith.subi %parallel_loop3A_302, %parallel_loop3A_304 : vector<16xi32>
      %parallel_loop3A_306 = arith.constant 2048 : i32
      %parallel_loop3A_307 = vector.broadcast %parallel_loop3A_306 : i32 to vector<16xi32>
      %parallel_loop3A_308 = arith.constant 4096 : i32
      %parallel_loop3A_309 = vector.broadcast %parallel_loop3A_308 : i32 to vector<16xi32>
      %parallel_loop3A_310 = arith.addi %parallel_loop3A_307, %parallel_loop3A_309 : vector<16xi32>
      %parallel_loop3A_311 = arith.constant 1 : i32
      %parallel_loop3A_312 = vector.broadcast %parallel_loop3A_311 : i32 to vector<16xi32>
      %parallel_loop3A_313 = arith.shrsi %parallel_loop3A_310, %parallel_loop3A_312 : vector<16xi32>
      %parallel_loop3A_314 = arith.constant 4095 : i32
      %parallel_loop3A_315 = vector.broadcast %parallel_loop3A_314 : i32 to vector<16xi32>
      %parallel_loop3A_316 = arith.minsi %parallel_loop3A_313, %parallel_loop3A_315 : vector<16xi32>
      %parallel_loop3A_317 = tpu.vector_load_idx %arg8[%parallel_loop3A_316] : memref<4096xi32, #tpu.memory_space<vmem>>[vector<16xi32>], vector<16xi32>,
      %parallel_loop3A_318 = vector.bitcast %parallel_loop3A_317 : vector<16xi32> to vector<16xi32>
      %parallel_loop3A_319 = arith.cmpi ult, %parallel_loop3A_318, %parallel_loop3A_70 : vector<16xi32>
      %parallel_loop3A_320 = arith.constant 1 : i32
      %parallel_loop3A_321 = vector.broadcast %parallel_loop3A_320 : i32 to vector<16xi32>
      %parallel_loop3A_322 = arith.addi %parallel_loop3A_316, %parallel_loop3A_321 : vector<16xi32>
      %parallel_loop3A_323 = arith.select %parallel_loop3A_319, %parallel_loop3A_322, %parallel_loop3A_307 : vector<16xi1>, vector<16xi32>
      %parallel_loop3A_324 = arith.select %parallel_loop3A_319, %parallel_loop3A_309, %parallel_loop3A_316 : vector<16xi1>, vector<16xi32>
      %parallel_loop3A_325 = arith.addi %parallel_loop3A_323, %parallel_loop3A_324 : vector<16xi32>
      %parallel_loop3A_326 = arith.constant 1 : i32
      %parallel_loop3A_327 = vector.broadcast %parallel_loop3A_326 : i32 to vector<16xi32>
      %parallel_loop3A_328 = arith.shrsi %parallel_loop3A_325, %parallel_loop3A_327 : vector<16xi32>
      %parallel_loop3A_329 = arith.constant 4095 : i32
      %parallel_loop3A_330 = vector.broadcast %parallel_loop3A_329 : i32 to vector<16xi32>
      %parallel_loop3A_331 = arith.minsi %parallel_loop3A_328, %parallel_loop3A_330 : vector<16xi32>
      %parallel_loop3A_332 = tpu.vector_load_idx %arg8[%parallel_loop3A_331] : memref<4096xi32, #tpu.memory_space<vmem>>[vector<16xi32>], vector<16xi32>,
      %parallel_loop3A_333 = vector.bitcast %parallel_loop3A_332 : vector<16xi32> to vector<16xi32>
      %parallel_loop3A_334 = arith.cmpi ult, %parallel_loop3A_333, %parallel_loop3A_70 : vector<16xi32>
      %parallel_loop3A_335 = arith.constant 1 : i32
      %parallel_loop3A_336 = vector.broadcast %parallel_loop3A_335 : i32 to vector<16xi32>
      %parallel_loop3A_337 = arith.addi %parallel_loop3A_331, %parallel_loop3A_336 : vector<16xi32>
      %parallel_loop3A_338 = arith.select %parallel_loop3A_334, %parallel_loop3A_337, %parallel_loop3A_323 : vector<16xi1>, vector<16xi32>
      %parallel_loop3A_339 = arith.select %parallel_loop3A_334, %parallel_loop3A_324, %parallel_loop3A_331 : vector<16xi1>, vector<16xi32>
      %parallel_loop3A_340 = arith.addi %parallel_loop3A_338, %parallel_loop3A_339 : vector<16xi32>
      %parallel_loop3A_341 = arith.constant 1 : i32
      %parallel_loop3A_342 = vector.broadcast %parallel_loop3A_341 : i32 to vector<16xi32>
      %parallel_loop3A_343 = arith.shrsi %parallel_loop3A_340, %parallel_loop3A_342 : vector<16xi32>
      %parallel_loop3A_344 = arith.constant 4095 : i32
      %parallel_loop3A_345 = vector.broadcast %parallel_loop3A_344 : i32 to vector<16xi32>
      %parallel_loop3A_346 = arith.minsi %parallel_loop3A_343, %parallel_loop3A_345 : vector<16xi32>
      %parallel_loop3A_347 = tpu.vector_load_idx %arg8[%parallel_loop3A_346] : memref<4096xi32, #tpu.memory_space<vmem>>[vector<16xi32>], vector<16xi32>,
      %parallel_loop3A_348 = vector.bitcast %parallel_loop3A_347 : vector<16xi32> to vector<16xi32>
      %parallel_loop3A_349 = arith.cmpi ult, %parallel_loop3A_348, %parallel_loop3A_70 : vector<16xi32>
      %parallel_loop3A_350 = arith.constant 1 : i32
      %parallel_loop3A_351 = vector.broadcast %parallel_loop3A_350 : i32 to vector<16xi32>
      %parallel_loop3A_352 = arith.addi %parallel_loop3A_346, %parallel_loop3A_351 : vector<16xi32>
      %parallel_loop3A_353 = arith.select %parallel_loop3A_349, %parallel_loop3A_352, %parallel_loop3A_338 : vector<16xi1>, vector<16xi32>
      %parallel_loop3A_354 = arith.select %parallel_loop3A_349, %parallel_loop3A_339, %parallel_loop3A_346 : vector<16xi1>, vector<16xi32>
      %parallel_loop3A_355 = arith.addi %parallel_loop3A_353, %parallel_loop3A_354 : vector<16xi32>
      %parallel_loop3A_356 = arith.constant 1 : i32
      %parallel_loop3A_357 = vector.broadcast %parallel_loop3A_356 : i32 to vector<16xi32>
      %parallel_loop3A_358 = arith.shrsi %parallel_loop3A_355, %parallel_loop3A_357 : vector<16xi32>
      %parallel_loop3A_359 = arith.constant 4095 : i32
      %parallel_loop3A_360 = vector.broadcast %parallel_loop3A_359 : i32 to vector<16xi32>
      %parallel_loop3A_361 = arith.minsi %parallel_loop3A_358, %parallel_loop3A_360 : vector<16xi32>
      %parallel_loop3A_362 = tpu.vector_load_idx %arg8[%parallel_loop3A_361] : memref<4096xi32, #tpu.memory_space<vmem>>[vector<16xi32>], vector<16xi32>,
      %parallel_loop3A_363 = vector.bitcast %parallel_loop3A_362 : vector<16xi32> to vector<16xi32>
      %parallel_loop3A_364 = arith.cmpi ult, %parallel_loop3A_363, %parallel_loop3A_70 : vector<16xi32>
      %parallel_loop3A_365 = arith.constant 1 : i32
      %parallel_loop3A_366 = vector.broadcast %parallel_loop3A_365 : i32 to vector<16xi32>
      %parallel_loop3A_367 = arith.addi %parallel_loop3A_361, %parallel_loop3A_366 : vector<16xi32>
      %parallel_loop3A_368 = arith.select %parallel_loop3A_364, %parallel_loop3A_367, %parallel_loop3A_353 : vector<16xi1>, vector<16xi32>
      %parallel_loop3A_369 = arith.select %parallel_loop3A_364, %parallel_loop3A_354, %parallel_loop3A_361 : vector<16xi1>, vector<16xi32>
      %parallel_loop3A_370 = arith.addi %parallel_loop3A_368, %parallel_loop3A_369 : vector<16xi32>
      %parallel_loop3A_371 = arith.constant 1 : i32
      %parallel_loop3A_372 = vector.broadcast %parallel_loop3A_371 : i32 to vector<16xi32>
      %parallel_loop3A_373 = arith.shrsi %parallel_loop3A_370, %parallel_loop3A_372 : vector<16xi32>
      %parallel_loop3A_374 = arith.constant 4095 : i32
      %parallel_loop3A_375 = vector.broadcast %parallel_loop3A_374 : i32 to vector<16xi32>
      %parallel_loop3A_376 = arith.minsi %parallel_loop3A_373, %parallel_loop3A_375 : vector<16xi32>
      %parallel_loop3A_377 = tpu.vector_load_idx %arg8[%parallel_loop3A_376] : memref<4096xi32, #tpu.memory_space<vmem>>[vector<16xi32>], vector<16xi32>,
      %parallel_loop3A_378 = vector.bitcast %parallel_loop3A_377 : vector<16xi32> to vector<16xi32>
      %parallel_loop3A_379 = arith.cmpi ult, %parallel_loop3A_378, %parallel_loop3A_70 : vector<16xi32>
      %parallel_loop3A_380 = arith.constant 1 : i32
      %parallel_loop3A_381 = vector.broadcast %parallel_loop3A_380 : i32 to vector<16xi32>
      %parallel_loop3A_382 = arith.addi %parallel_loop3A_376, %parallel_loop3A_381 : vector<16xi32>
      %parallel_loop3A_383 = arith.select %parallel_loop3A_379, %parallel_loop3A_382, %parallel_loop3A_368 : vector<16xi1>, vector<16xi32>
      %parallel_loop3A_384 = arith.select %parallel_loop3A_379, %parallel_loop3A_369, %parallel_loop3A_376 : vector<16xi1>, vector<16xi32>
      %parallel_loop3A_385 = arith.addi %parallel_loop3A_383, %parallel_loop3A_384 : vector<16xi32>
      %parallel_loop3A_386 = arith.constant 1 : i32
      %parallel_loop3A_387 = vector.broadcast %parallel_loop3A_386 : i32 to vector<16xi32>
      %parallel_loop3A_388 = arith.shrsi %parallel_loop3A_385, %parallel_loop3A_387 : vector<16xi32>
      %parallel_loop3A_389 = arith.constant 4095 : i32
      %parallel_loop3A_390 = vector.broadcast %parallel_loop3A_389 : i32 to vector<16xi32>
      %parallel_loop3A_391 = arith.minsi %parallel_loop3A_388, %parallel_loop3A_390 : vector<16xi32>
      %parallel_loop3A_392 = tpu.vector_load_idx %arg8[%parallel_loop3A_391] : memref<4096xi32, #tpu.memory_space<vmem>>[vector<16xi32>], vector<16xi32>,
      %parallel_loop3A_393 = vector.bitcast %parallel_loop3A_392 : vector<16xi32> to vector<16xi32>
      %parallel_loop3A_394 = arith.cmpi ult, %parallel_loop3A_393, %parallel_loop3A_70 : vector<16xi32>
      %parallel_loop3A_395 = arith.constant 1 : i32
      %parallel_loop3A_396 = vector.broadcast %parallel_loop3A_395 : i32 to vector<16xi32>
      %parallel_loop3A_397 = arith.addi %parallel_loop3A_391, %parallel_loop3A_396 : vector<16xi32>
      %parallel_loop3A_398 = arith.select %parallel_loop3A_394, %parallel_loop3A_397, %parallel_loop3A_383 : vector<16xi1>, vector<16xi32>
      %parallel_loop3A_399 = arith.select %parallel_loop3A_394, %parallel_loop3A_384, %parallel_loop3A_391 : vector<16xi1>, vector<16xi32>
      %parallel_loop3A_400 = arith.addi %parallel_loop3A_398, %parallel_loop3A_399 : vector<16xi32>
      %parallel_loop3A_401 = arith.constant 1 : i32
      %parallel_loop3A_402 = vector.broadcast %parallel_loop3A_401 : i32 to vector<16xi32>
      %parallel_loop3A_403 = arith.shrsi %parallel_loop3A_400, %parallel_loop3A_402 : vector<16xi32>
      %parallel_loop3A_404 = arith.constant 4095 : i32
      %parallel_loop3A_405 = vector.broadcast %parallel_loop3A_404 : i32 to vector<16xi32>
      %parallel_loop3A_406 = arith.minsi %parallel_loop3A_403, %parallel_loop3A_405 : vector<16xi32>
      %parallel_loop3A_407 = tpu.vector_load_idx %arg8[%parallel_loop3A_406] : memref<4096xi32, #tpu.memory_space<vmem>>[vector<16xi32>], vector<16xi32>,
      %parallel_loop3A_408 = vector.bitcast %parallel_loop3A_407 : vector<16xi32> to vector<16xi32>
      %parallel_loop3A_409 = arith.cmpi ult, %parallel_loop3A_408, %parallel_loop3A_70 : vector<16xi32>
      %parallel_loop3A_410 = arith.constant 1 : i32
      %parallel_loop3A_411 = vector.broadcast %parallel_loop3A_410 : i32 to vector<16xi32>
      %parallel_loop3A_412 = arith.addi %parallel_loop3A_406, %parallel_loop3A_411 : vector<16xi32>
      %parallel_loop3A_413 = arith.select %parallel_loop3A_409, %parallel_loop3A_412, %parallel_loop3A_398 : vector<16xi1>, vector<16xi32>
      %parallel_loop3A_414 = arith.select %parallel_loop3A_409, %parallel_loop3A_399, %parallel_loop3A_406 : vector<16xi1>, vector<16xi32>
      %parallel_loop3A_415 = arith.addi %parallel_loop3A_413, %parallel_loop3A_414 : vector<16xi32>
      %parallel_loop3A_416 = arith.constant 1 : i32
      %parallel_loop3A_417 = vector.broadcast %parallel_loop3A_416 : i32 to vector<16xi32>
      %parallel_loop3A_418 = arith.shrsi %parallel_loop3A_415, %parallel_loop3A_417 : vector<16xi32>
      %parallel_loop3A_419 = arith.constant 4095 : i32
      %parallel_loop3A_420 = vector.broadcast %parallel_loop3A_419 : i32 to vector<16xi32>
      %parallel_loop3A_421 = arith.minsi %parallel_loop3A_418, %parallel_loop3A_420 : vector<16xi32>
      %parallel_loop3A_422 = tpu.vector_load_idx %arg8[%parallel_loop3A_421] : memref<4096xi32, #tpu.memory_space<vmem>>[vector<16xi32>], vector<16xi32>,
      %parallel_loop3A_423 = vector.bitcast %parallel_loop3A_422 : vector<16xi32> to vector<16xi32>
      %parallel_loop3A_424 = arith.cmpi ult, %parallel_loop3A_423, %parallel_loop3A_70 : vector<16xi32>
      %parallel_loop3A_425 = arith.constant 1 : i32
      %parallel_loop3A_426 = vector.broadcast %parallel_loop3A_425 : i32 to vector<16xi32>
      %parallel_loop3A_427 = arith.addi %parallel_loop3A_421, %parallel_loop3A_426 : vector<16xi32>
      %parallel_loop3A_428 = arith.select %parallel_loop3A_424, %parallel_loop3A_427, %parallel_loop3A_413 : vector<16xi1>, vector<16xi32>
      %parallel_loop3A_429 = arith.select %parallel_loop3A_424, %parallel_loop3A_414, %parallel_loop3A_421 : vector<16xi1>, vector<16xi32>
      %parallel_loop3A_430 = arith.addi %parallel_loop3A_428, %parallel_loop3A_429 : vector<16xi32>
      %parallel_loop3A_431 = arith.constant 1 : i32
      %parallel_loop3A_432 = vector.broadcast %parallel_loop3A_431 : i32 to vector<16xi32>
      %parallel_loop3A_433 = arith.shrsi %parallel_loop3A_430, %parallel_loop3A_432 : vector<16xi32>
      %parallel_loop3A_434 = arith.constant 4095 : i32
      %parallel_loop3A_435 = vector.broadcast %parallel_loop3A_434 : i32 to vector<16xi32>
      %parallel_loop3A_436 = arith.minsi %parallel_loop3A_433, %parallel_loop3A_435 : vector<16xi32>
      %parallel_loop3A_437 = tpu.vector_load_idx %arg8[%parallel_loop3A_436] : memref<4096xi32, #tpu.memory_space<vmem>>[vector<16xi32>], vector<16xi32>,
      %parallel_loop3A_438 = vector.bitcast %parallel_loop3A_437 : vector<16xi32> to vector<16xi32>
      %parallel_loop3A_439 = arith.cmpi ult, %parallel_loop3A_438, %parallel_loop3A_70 : vector<16xi32>
      %parallel_loop3A_440 = arith.constant 1 : i32
      %parallel_loop3A_441 = vector.broadcast %parallel_loop3A_440 : i32 to vector<16xi32>
      %parallel_loop3A_442 = arith.addi %parallel_loop3A_436, %parallel_loop3A_441 : vector<16xi32>
      %parallel_loop3A_443 = arith.select %parallel_loop3A_439, %parallel_loop3A_442, %parallel_loop3A_428 : vector<16xi1>, vector<16xi32>
      %parallel_loop3A_444 = arith.select %parallel_loop3A_439, %parallel_loop3A_429, %parallel_loop3A_436 : vector<16xi1>, vector<16xi32>
      %parallel_loop3A_445 = arith.addi %parallel_loop3A_443, %parallel_loop3A_444 : vector<16xi32>
      %parallel_loop3A_446 = arith.constant 1 : i32
      %parallel_loop3A_447 = vector.broadcast %parallel_loop3A_446 : i32 to vector<16xi32>
      %parallel_loop3A_448 = arith.shrsi %parallel_loop3A_445, %parallel_loop3A_447 : vector<16xi32>
      %parallel_loop3A_449 = arith.constant 4095 : i32
      %parallel_loop3A_450 = vector.broadcast %parallel_loop3A_449 : i32 to vector<16xi32>
      %parallel_loop3A_451 = arith.minsi %parallel_loop3A_448, %parallel_loop3A_450 : vector<16xi32>
      %parallel_loop3A_452 = tpu.vector_load_idx %arg8[%parallel_loop3A_451] : memref<4096xi32, #tpu.memory_space<vmem>>[vector<16xi32>], vector<16xi32>,
      %parallel_loop3A_453 = vector.bitcast %parallel_loop3A_452 : vector<16xi32> to vector<16xi32>
      %parallel_loop3A_454 = arith.cmpi ult, %parallel_loop3A_453, %parallel_loop3A_70 : vector<16xi32>
      %parallel_loop3A_455 = arith.constant 1 : i32
      %parallel_loop3A_456 = vector.broadcast %parallel_loop3A_455 : i32 to vector<16xi32>
      %parallel_loop3A_457 = arith.addi %parallel_loop3A_451, %parallel_loop3A_456 : vector<16xi32>
      %parallel_loop3A_458 = arith.select %parallel_loop3A_454, %parallel_loop3A_457, %parallel_loop3A_443 : vector<16xi1>, vector<16xi32>
      %parallel_loop3A_459 = arith.select %parallel_loop3A_454, %parallel_loop3A_444, %parallel_loop3A_451 : vector<16xi1>, vector<16xi32>
      %parallel_loop3A_460 = arith.addi %parallel_loop3A_458, %parallel_loop3A_459 : vector<16xi32>
      %parallel_loop3A_461 = arith.constant 1 : i32
      %parallel_loop3A_462 = vector.broadcast %parallel_loop3A_461 : i32 to vector<16xi32>
      %parallel_loop3A_463 = arith.shrsi %parallel_loop3A_460, %parallel_loop3A_462 : vector<16xi32>
      %parallel_loop3A_464 = arith.constant 4095 : i32
      %parallel_loop3A_465 = vector.broadcast %parallel_loop3A_464 : i32 to vector<16xi32>
      %parallel_loop3A_466 = arith.minsi %parallel_loop3A_463, %parallel_loop3A_465 : vector<16xi32>
      %parallel_loop3A_467 = tpu.vector_load_idx %arg8[%parallel_loop3A_466] : memref<4096xi32, #tpu.memory_space<vmem>>[vector<16xi32>], vector<16xi32>,
      %parallel_loop3A_468 = vector.bitcast %parallel_loop3A_467 : vector<16xi32> to vector<16xi32>
      %parallel_loop3A_469 = arith.cmpi ult, %parallel_loop3A_468, %parallel_loop3A_70 : vector<16xi32>
      %parallel_loop3A_470 = arith.constant 1 : i32
      %parallel_loop3A_471 = vector.broadcast %parallel_loop3A_470 : i32 to vector<16xi32>
      %parallel_loop3A_472 = arith.addi %parallel_loop3A_466, %parallel_loop3A_471 : vector<16xi32>
      %parallel_loop3A_473 = arith.select %parallel_loop3A_469, %parallel_loop3A_472, %parallel_loop3A_458 : vector<16xi1>, vector<16xi32>
      %parallel_loop3A_474 = arith.select %parallel_loop3A_469, %parallel_loop3A_459, %parallel_loop3A_466 : vector<16xi1>, vector<16xi32>
      %parallel_loop3A_475 = arith.addi %parallel_loop3A_473, %parallel_loop3A_474 : vector<16xi32>
      %parallel_loop3A_476 = arith.constant 1 : i32
      %parallel_loop3A_477 = vector.broadcast %parallel_loop3A_476 : i32 to vector<16xi32>
      %parallel_loop3A_478 = arith.shrsi %parallel_loop3A_475, %parallel_loop3A_477 : vector<16xi32>
      %parallel_loop3A_479 = arith.constant 4095 : i32
      %parallel_loop3A_480 = vector.broadcast %parallel_loop3A_479 : i32 to vector<16xi32>
      %parallel_loop3A_481 = arith.minsi %parallel_loop3A_478, %parallel_loop3A_480 : vector<16xi32>
      %parallel_loop3A_482 = tpu.vector_load_idx %arg8[%parallel_loop3A_481] : memref<4096xi32, #tpu.memory_space<vmem>>[vector<16xi32>], vector<16xi32>,
      %parallel_loop3A_483 = vector.bitcast %parallel_loop3A_482 : vector<16xi32> to vector<16xi32>
      %parallel_loop3A_484 = arith.cmpi ult, %parallel_loop3A_483, %parallel_loop3A_70 : vector<16xi32>
      %parallel_loop3A_485 = arith.constant 1 : i32
      %parallel_loop3A_486 = vector.broadcast %parallel_loop3A_485 : i32 to vector<16xi32>
      %parallel_loop3A_487 = arith.addi %parallel_loop3A_481, %parallel_loop3A_486 : vector<16xi32>
      %parallel_loop3A_488 = arith.select %parallel_loop3A_484, %parallel_loop3A_487, %parallel_loop3A_473 : vector<16xi1>, vector<16xi32>
      %parallel_loop3A_489 = arith.select %parallel_loop3A_484, %parallel_loop3A_474, %parallel_loop3A_481 : vector<16xi1>, vector<16xi32>
      %parallel_loop3A_490 = arith.constant 1 : i32
      %parallel_loop3A_491 = vector.broadcast %parallel_loop3A_490 : i32 to vector<16xi32>
      %parallel_loop3A_492 = arith.subi %parallel_loop3A_488, %parallel_loop3A_491 : vector<16xi32>
      %parallel_loop3A_493 = arith.constant 2048 : i32
      %parallel_loop3A_494 = vector.broadcast %parallel_loop3A_493 : i32 to vector<16xi32>
      %parallel_loop3A_495 = arith.maxsi %parallel_loop3A_492, %parallel_loop3A_494 : vector<16xi32>
      %parallel_loop3A_496 = arith.constant 4095 : i32
      %parallel_loop3A_497 = vector.broadcast %parallel_loop3A_496 : i32 to vector<16xi32>
      %parallel_loop3A_498 = arith.minsi %parallel_loop3A_488, %parallel_loop3A_497 : vector<16xi32>
      %parallel_loop3A_499 = tpu.vector_load_idx %arg8[%parallel_loop3A_495] : memref<4096xi32, #tpu.memory_space<vmem>>[vector<16xi32>], vector<16xi32>,
      %parallel_loop3A_500 = vector.bitcast %parallel_loop3A_499 : vector<16xi32> to vector<16xi32>
      %parallel_loop3A_501 = arith.constant 2147483647 : i32
      %parallel_loop3A_502 = vector.broadcast %parallel_loop3A_501 : i32 to vector<16xi32>
      %parallel_loop3A_503 = arith.andi %parallel_loop3A_500, %parallel_loop3A_502 : vector<16xi32>
      %parallel_loop3A_504 = vector.bitcast %parallel_loop3A_503 : vector<16xi32> to vector<16xf32>
      %parallel_loop3A_505 = tpu.vector_load_idx %arg8[%parallel_loop3A_498] : memref<4096xi32, #tpu.memory_space<vmem>>[vector<16xi32>], vector<16xi32>,
      %parallel_loop3A_506 = vector.bitcast %parallel_loop3A_505 : vector<16xi32> to vector<16xi32>
      %parallel_loop3A_507 = arith.constant 2147483647 : i32
      %parallel_loop3A_508 = vector.broadcast %parallel_loop3A_507 : i32 to vector<16xi32>
      %parallel_loop3A_509 = arith.andi %parallel_loop3A_506, %parallel_loop3A_508 : vector<16xi32>
      %parallel_loop3A_510 = vector.bitcast %parallel_loop3A_509 : vector<16xi32> to vector<16xf32>
      %parallel_loop3A_511 = arith.constant 0x7F800000 : f32
      %parallel_loop3A_512 = vector.broadcast %parallel_loop3A_511 : f32 to vector<16xf32>
      %parallel_loop3A_513 = arith.constant 2048 : i32
      %parallel_loop3A_514 = vector.broadcast %parallel_loop3A_513 : i32 to vector<16xi32>
      %parallel_loop3A_515 = arith.cmpi eq, %parallel_loop3A_488, %parallel_loop3A_514 : vector<16xi32>
      %parallel_loop3A_516 = arith.subf %parallel_loop3A_504, %parallel_loop3A_65 : vector<16xf32>
      %parallel_loop3A_517 = math.absf %parallel_loop3A_516 : vector<16xf32>
      %parallel_loop3A_518 = arith.select %parallel_loop3A_515, %parallel_loop3A_512, %parallel_loop3A_517 : vector<16xi1>, vector<16xf32>
      %parallel_loop3A_519 = arith.constant 4096 : i32
      %parallel_loop3A_520 = vector.broadcast %parallel_loop3A_519 : i32 to vector<16xi32>
      %parallel_loop3A_521 = arith.cmpi eq, %parallel_loop3A_488, %parallel_loop3A_520 : vector<16xi32>
      %parallel_loop3A_522 = arith.subf %parallel_loop3A_510, %parallel_loop3A_65 : vector<16xf32>
      %parallel_loop3A_523 = math.absf %parallel_loop3A_522 : vector<16xf32>
      %parallel_loop3A_524 = arith.select %parallel_loop3A_521, %parallel_loop3A_512, %parallel_loop3A_523 : vector<16xi1>, vector<16xf32>
      %parallel_loop3A_525 = tpu.vector_load_idx %arg9[%parallel_loop3A_495] : memref<4096xi32, #tpu.memory_space<vmem>>[vector<16xi32>], vector<16xi32>,
      %parallel_loop3A_526 = arith.constant 4095 : i32
      %parallel_loop3A_527 = vector.broadcast %parallel_loop3A_526 : i32 to vector<16xi32>
      %parallel_loop3A_528 = arith.andi %parallel_loop3A_525, %parallel_loop3A_527 : vector<16xi32>
      %parallel_loop3A_529 = tpu.vector_load_idx %arg9[%parallel_loop3A_498] : memref<4096xi32, #tpu.memory_space<vmem>>[vector<16xi32>], vector<16xi32>,
      %parallel_loop3A_530 = arith.constant 4095 : i32
      %parallel_loop3A_531 = vector.broadcast %parallel_loop3A_530 : i32 to vector<16xi32>
      %parallel_loop3A_532 = arith.andi %parallel_loop3A_529, %parallel_loop3A_531 : vector<16xi32>
      %parallel_loop3A_533 = arith.cmpf olt, %parallel_loop3A_518, %parallel_loop3A_524 : vector<16xf32>
      %parallel_loop3A_534 = arith.cmpf olt, %parallel_loop3A_524, %parallel_loop3A_518 : vector<16xf32>
      %parallel_loop3A_535 = arith.minsi %parallel_loop3A_528, %parallel_loop3A_532 : vector<16xi32>
      %parallel_loop3A_536 = arith.select %parallel_loop3A_534, %parallel_loop3A_532, %parallel_loop3A_535 : vector<16xi1>, vector<16xi32>
      %parallel_loop3A_537 = arith.select %parallel_loop3A_533, %parallel_loop3A_528, %parallel_loop3A_536 : vector<16xi1>, vector<16xi32>
      %parallel_loop3A_538 = arith.constant 2048 : i32
      %parallel_loop3A_539 = vector.broadcast %parallel_loop3A_538 : i32 to vector<16xi32>
      %parallel_loop3A_540 = arith.subi %parallel_loop3A_537, %parallel_loop3A_539 : vector<16xi32>
      %parallel_loop3A_541 = arith.constant 3 : i32
      %parallel_loop3A_542 = vector.broadcast %parallel_loop3A_541 : i32 to vector<16xi32>
      %parallel_loop3A_543 = arith.shrsi %parallel_loop3A_305, %parallel_loop3A_542 : vector<16xi32>
      %parallel_loop3A_544 = arith.constant 16 : i32
      %parallel_loop3A_545 = vector.broadcast %parallel_loop3A_544 : i32 to vector<16xi32>
      %parallel_loop3A_546 = arith.muli %parallel_loop3A_543, %parallel_loop3A_545 : vector<16xi32>
      %parallel_loop3A_547 = arith.constant 7 : i32
      %parallel_loop3A_548 = vector.broadcast %parallel_loop3A_547 : i32 to vector<16xi32>
      %parallel_loop3A_549 = arith.shrsi %parallel_loop3A_540, %parallel_loop3A_548 : vector<16xi32>
      %parallel_loop3A_550 = arith.addi %parallel_loop3A_546, %parallel_loop3A_549 : vector<16xi32>
      %parallel_loop3A_551 = arith.constant 10 : i32
      %parallel_loop3A_552 = vector.broadcast %parallel_loop3A_551 : i32 to vector<16xi32>
      %parallel_loop3A_553 = arith.shli %parallel_loop3A_550, %parallel_loop3A_552 : vector<16xi32>
      %parallel_loop3A_554 = arith.constant 7 : i32
      %parallel_loop3A_555 = vector.broadcast %parallel_loop3A_554 : i32 to vector<16xi32>
      %parallel_loop3A_556 = arith.andi %parallel_loop3A_305, %parallel_loop3A_555 : vector<16xi32>
      %parallel_loop3A_557 = arith.constant 7 : i32
      %parallel_loop3A_558 = vector.broadcast %parallel_loop3A_557 : i32 to vector<16xi32>
      %parallel_loop3A_559 = arith.shli %parallel_loop3A_556, %parallel_loop3A_558 : vector<16xi32>
      %parallel_loop3A_560 = arith.ori %parallel_loop3A_553, %parallel_loop3A_559 : vector<16xi32>
      %parallel_loop3A_561 = arith.constant 127 : i32
      %parallel_loop3A_562 = vector.broadcast %parallel_loop3A_561 : i32 to vector<16xi32>
      %parallel_loop3A_563 = arith.andi %parallel_loop3A_540, %parallel_loop3A_562 : vector<16xi32>
      %parallel_loop3A_564 = arith.ori %parallel_loop3A_560, %parallel_loop3A_563 : vector<16xi32>
      %parallel_loop3A_565 = arith.index_cast %parallel_loop3A_61 : i32 to index
      %parallel_loop3A_566 = tpu.vector_load %arg12[%parallel_loop3A_565] {strides = array<i32>} : memref<512xi32, #tpu.memory_space<vmem>>, vector<16xi32>,
      tpu.vector_store %arg12[%parallel_loop3A_565], %parallel_loop3A_564 {strides = array<i32>} : memref<512xi32, #tpu.memory_space<vmem>>, vector<16xi32>,
    } {sc.loop_unroll_factor = 1 : i64, sc.parallel_access}
    %dma_start3A_11 = arith.constant 0 : i32
    %dma_start3A_12 = tpu.memref_slice %arg13[%dma_start3A_11] : memref<512xf32, #tpu.memory_space<vmem>> -> memref<128xf32, #tpu.memory_space<vmem>>
    %dma_start3A_13 = arith.constant 0 : i32
    %dma_start3A_14 = tpu.memref_slice %arg12[%dma_start3A_13] : memref<512xi32, #tpu.memory_space<vmem>> -> memref<128xi32, #tpu.memory_space<vmem>>
    %dma_start3A_15 = arith.constant 0 : i32
    %dma_start3A_16 = tpu.memref_slice %arg6[%dma_start3A_15] : memref<4194304xf32, #tpu.memory_space<hbm>> -> memref<4194304xf32, #tpu.memory_space<hbm>>
    tpu.enqueue_indirect_dma source(%dma_start3A_16 : memref<4194304xf32, #tpu.memory_space<hbm>>) target(%dma_start3A_12 : memref<128xf32, #tpu.memory_space<vmem>>) offsets(%dma_start3A_14 : memref<128xi32, #tpu.memory_space<vmem>>) semaphore(%arg14 : memref<!tpu.dma_semaphore, #tpu.memory_space<semaphore_mem>>)
    %dma_start3A_17 = arith.constant 128 : i32
    %dma_start3A_18 = tpu.memref_slice %arg13[%dma_start3A_17] : memref<512xf32, #tpu.memory_space<vmem>> -> memref<128xf32, #tpu.memory_space<vmem>>
    %dma_start3A_19 = arith.constant 128 : i32
    %dma_start3A_20 = tpu.memref_slice %arg12[%dma_start3A_19] : memref<512xi32, #tpu.memory_space<vmem>> -> memref<128xi32, #tpu.memory_space<vmem>>
    %dma_start3A_21 = arith.constant 0 : i32
    %dma_start3A_22 = tpu.memref_slice %arg6[%dma_start3A_21] : memref<4194304xf32, #tpu.memory_space<hbm>> -> memref<4194304xf32, #tpu.memory_space<hbm>>
    tpu.enqueue_indirect_dma source(%dma_start3A_22 : memref<4194304xf32, #tpu.memory_space<hbm>>) target(%dma_start3A_18 : memref<128xf32, #tpu.memory_space<vmem>>) offsets(%dma_start3A_20 : memref<128xi32, #tpu.memory_space<vmem>>) semaphore(%arg14 : memref<!tpu.dma_semaphore, #tpu.memory_space<semaphore_mem>>)
    %dma_start3A_23 = arith.constant 256 : i32
    %dma_start3A_24 = tpu.memref_slice %arg13[%dma_start3A_23] : memref<512xf32, #tpu.memory_space<vmem>> -> memref<128xf32, #tpu.memory_space<vmem>>
    %dma_start3A_25 = arith.constant 256 : i32
    %dma_start3A_26 = tpu.memref_slice %arg12[%dma_start3A_25] : memref<512xi32, #tpu.memory_space<vmem>> -> memref<128xi32, #tpu.memory_space<vmem>>
    %dma_start3A_27 = arith.constant 0 : i32
    %dma_start3A_28 = tpu.memref_slice %arg6[%dma_start3A_27] : memref<4194304xf32, #tpu.memory_space<hbm>> -> memref<4194304xf32, #tpu.memory_space<hbm>>
    tpu.enqueue_indirect_dma source(%dma_start3A_28 : memref<4194304xf32, #tpu.memory_space<hbm>>) target(%dma_start3A_24 : memref<128xf32, #tpu.memory_space<vmem>>) offsets(%dma_start3A_26 : memref<128xi32, #tpu.memory_space<vmem>>) semaphore(%arg14 : memref<!tpu.dma_semaphore, #tpu.memory_space<semaphore_mem>>)
    %dma_start3A_29 = arith.constant 384 : i32
    %dma_start3A_30 = tpu.memref_slice %arg13[%dma_start3A_29] : memref<512xf32, #tpu.memory_space<vmem>> -> memref<128xf32, #tpu.memory_space<vmem>>
    %dma_start3A_31 = arith.constant 384 : i32
    %dma_start3A_32 = tpu.memref_slice %arg12[%dma_start3A_31] : memref<512xi32, #tpu.memory_space<vmem>> -> memref<128xi32, #tpu.memory_space<vmem>>
    %dma_start3A_33 = arith.constant 0 : i32
    %dma_start3A_34 = tpu.memref_slice %arg6[%dma_start3A_33] : memref<4194304xf32, #tpu.memory_space<hbm>> -> memref<4194304xf32, #tpu.memory_space<hbm>>
    tpu.enqueue_indirect_dma source(%dma_start3A_34 : memref<4194304xf32, #tpu.memory_space<hbm>>) target(%dma_start3A_30 : memref<128xf32, #tpu.memory_space<vmem>>) offsets(%dma_start3A_32 : memref<128xi32, #tpu.memory_space<vmem>>) semaphore(%arg14 : memref<!tpu.dma_semaphore, #tpu.memory_space<semaphore_mem>>)
    %dma_wait3A_35 = arith.constant 0 : i32
    %dma_wait3A_36 = tpu.memref_slice %arg13[%dma_wait3A_35] : memref<512xf32, #tpu.memory_space<vmem>> -> memref<128xf32, #tpu.memory_space<vmem>>
    %dma_wait3A_37 = arith.constant 0 : i32
    %dma_wait3A_38 = tpu.memref_slice %arg12[%dma_wait3A_37] : memref<512xi32, #tpu.memory_space<vmem>> -> memref<128xi32, #tpu.memory_space<vmem>>
    %dma_wait3A_39 = arith.constant 0 : i32
    %dma_wait3A_40 = tpu.memref_slice %arg6[%dma_wait3A_39] : memref<4194304xf32, #tpu.memory_space<hbm>> -> memref<4194304xf32, #tpu.memory_space<hbm>>
    tpu.wait_indirect_dma semaphore(%arg14 : memref<!tpu.dma_semaphore, #tpu.memory_space<semaphore_mem>>) src(%dma_wait3A_40 : memref<4194304xf32, #tpu.memory_space<hbm>>) dst(%dma_wait3A_36 : memref<128xf32, #tpu.memory_space<vmem>>)
    %dma_wait3A_41 = arith.constant 128 : i32
    %dma_wait3A_42 = tpu.memref_slice %arg13[%dma_wait3A_41] : memref<512xf32, #tpu.memory_space<vmem>> -> memref<128xf32, #tpu.memory_space<vmem>>
    %dma_wait3A_43 = arith.constant 128 : i32
    %dma_wait3A_44 = tpu.memref_slice %arg12[%dma_wait3A_43] : memref<512xi32, #tpu.memory_space<vmem>> -> memref<128xi32, #tpu.memory_space<vmem>>
    %dma_wait3A_45 = arith.constant 0 : i32
    %dma_wait3A_46 = tpu.memref_slice %arg6[%dma_wait3A_45] : memref<4194304xf32, #tpu.memory_space<hbm>> -> memref<4194304xf32, #tpu.memory_space<hbm>>
    tpu.wait_indirect_dma semaphore(%arg14 : memref<!tpu.dma_semaphore, #tpu.memory_space<semaphore_mem>>) src(%dma_wait3A_46 : memref<4194304xf32, #tpu.memory_space<hbm>>) dst(%dma_wait3A_42 : memref<128xf32, #tpu.memory_space<vmem>>)
    %dma_wait3A_47 = arith.constant 256 : i32
    %dma_wait3A_48 = tpu.memref_slice %arg13[%dma_wait3A_47] : memref<512xf32, #tpu.memory_space<vmem>> -> memref<128xf32, #tpu.memory_space<vmem>>
    %dma_wait3A_49 = arith.constant 256 : i32
    %dma_wait3A_50 = tpu.memref_slice %arg12[%dma_wait3A_49] : memref<512xi32, #tpu.memory_space<vmem>> -> memref<128xi32, #tpu.memory_space<vmem>>
    %dma_wait3A_51 = arith.constant 0 : i32
    %dma_wait3A_52 = tpu.memref_slice %arg6[%dma_wait3A_51] : memref<4194304xf32, #tpu.memory_space<hbm>> -> memref<4194304xf32, #tpu.memory_space<hbm>>
    tpu.wait_indirect_dma semaphore(%arg14 : memref<!tpu.dma_semaphore, #tpu.memory_space<semaphore_mem>>) src(%dma_wait3A_52 : memref<4194304xf32, #tpu.memory_space<hbm>>) dst(%dma_wait3A_48 : memref<128xf32, #tpu.memory_space<vmem>>)
    %dma_wait3A_53 = arith.constant 384 : i32
    %dma_wait3A_54 = tpu.memref_slice %arg13[%dma_wait3A_53] : memref<512xf32, #tpu.memory_space<vmem>> -> memref<128xf32, #tpu.memory_space<vmem>>
    %dma_wait3A_55 = arith.constant 384 : i32
    %dma_wait3A_56 = tpu.memref_slice %arg12[%dma_wait3A_55] : memref<512xi32, #tpu.memory_space<vmem>> -> memref<128xi32, #tpu.memory_space<vmem>>
    %dma_wait3A_57 = arith.constant 0 : i32
    %dma_wait3A_58 = tpu.memref_slice %arg6[%dma_wait3A_57] : memref<4194304xf32, #tpu.memory_space<hbm>> -> memref<4194304xf32, #tpu.memory_space<hbm>>
    tpu.wait_indirect_dma semaphore(%arg14 : memref<!tpu.dma_semaphore, #tpu.memory_space<semaphore_mem>>) src(%dma_wait3A_58 : memref<4194304xf32, #tpu.memory_space<hbm>>) dst(%dma_wait3A_54 : memref<128xf32, #tpu.memory_space<vmem>>)
    "tpu.region"() ({
      %run_scoped3A = tpu.sem_alloc : memref<!tpu.dma_semaphore, #tpu.memory_space<semaphore_mem>>
      %dma_start3A_59 = tpu.memref_slice %arg7[%mul3A_2] : memref<16384xf32, #tpu.memory_space<hbm>> -> memref<512xf32, #tpu.memory_space<hbm>>
      %dma_start3A_60 = tpu.memref_slice %arg7[%mul3A_2] : memref<16384xf32, #tpu.memory_space<hbm>> -> memref<512xf32, #tpu.memory_space<hbm>>
      tpu.enqueue_dma source(%arg13 : memref<512xf32, #tpu.memory_space<vmem>>) target(%dma_start3A_60 : memref<512xf32, #tpu.memory_space<hbm>>) target_semaphore(%run_scoped3A : memref<!tpu.dma_semaphore, #tpu.memory_space<semaphore_mem>>)
      %dma_wait3A_61 = tpu.memref_slice %arg7[%mul3A_2] : memref<16384xf32, #tpu.memory_space<hbm>> -> memref<512xf32, #tpu.memory_space<hbm>>
      %dma_wait3A_62 = tpu.memref_slice %arg7[%mul3A_2] : memref<16384xf32, #tpu.memory_space<hbm>> -> memref<512xf32, #tpu.memory_space<hbm>>
      tpu.wait_dma2 semaphore(%run_scoped3A : memref<!tpu.dma_semaphore, #tpu.memory_space<semaphore_mem>>) src(%arg13 : memref<512xf32, #tpu.memory_space<vmem>>) dst(%dma_wait3A_62 : memref<512xf32, #tpu.memory_space<hbm>>)
      tpu.yield
    }) : () -> ()
    return
  }
}

</mosaic_0001>

<sc_bundles>
// kernel: kernel.3.cloned.1.call-start
scs
__scs_entry_jumppad:
0x0: {  	(pc) =	sbr.rel $0x88, $3  }
0x1: {  	(tag) =	ssettag $0x0;
	lr =	simm.s32 $0x1  }
0x2: {  	[smem:$0x3F9C] =	sst lr;
	_ =	strace $0xD0000000  }
0x3: {  	_ = 	snop  }
0x4: {  	_ = 	snop  }
0x5: {  	_ = 	snop  }
0x6: {  	_ = 	snop  }
0x7: {  	_ = 	snop  }
__scs_overlays_trampoline_lowered:
0x8: {  	[smem:$0x3FAB] =	sst s0  }
0x9: {  	[smem:$0x3FAC] =	sst s1  }
0xa: {  	[smem:$0x3FAD] =	sst s2  }
0xb: {  	[smem:$0x3FAE] =	sst s3  }
0xc: {  	[smem:$0x3FAF] =	sst s4  }
0xd: {  	[smem:$0x3FB0] =	sst s5  }
0xe: {  	[smem:$0x3FB1] =	sst s6  }
0xf: {  	[smem:$0x3FB2] =	sst s7  }
0x10: {  	[smem:$0x3FB3] =	sst s8  }
0x11: {  	[smem:$0x3FB4] =	sst s9;
	s0 =	simm.s32 @!p0 $0x0  }
0x12: {  	s1 =	sld [smem:$0x3F9A];
	s0 =	simm.s32 @p0 $0x1  }
0x13: {  	[smem:$0x3FB5] =	sst s0;
	s0 =	simm.s32 @!p1 $0x0  }
0x14: {  	s2 =	sld [smem:$0x3F99];
	s0 =	simm.s32 @p1 $0x1  }
0x15: {  	[smem:$0x3FB6] =	sst s0;
	s0 =	simm.s32 @!p2 $0x0  }
0x16: {  	s3 =	sld [smem:$0x3FDB];
	s0 =	simm.s32 @p2 $0x1  }
0x17: {  	s4 =	simm.s32 $0x1BF5;
	[smem:$0x3FB8] =	sst s0  }
0x18: {  	s0 =	sld [smem:$0x3F9B];
	_ =	swait.ge [sflag:s4], $0x0  }
0x19: {  	s7 =	sld [smem:$0x3F9C]  }
0x1a: {  	s8 =	sadd.s32 $0xFFFFE003, lr  }
0x1b: {  	s9 =	sadd.s32 $0xFFFFFEF7, lr;
	s5 =	simm.s32 $0xFFFFFFFF;
	p2 =	slt.u32 s8, $0xFFFFF086  }
0x1c: {  	p1 =	slt.u32 s9, $0xF7A;
	s5 =	simm.s32 @!p2 $0x0  }
0x1d: {  	s5 =	simm.s32 @p1 $0x1;
	p0 =	seq.s32 s7, s2  }
0x1e: {  	s7 =	smul.u32 @!p0 $0xF7A, s2;
	p2 =	seq.s32 @!p0 s5, $0x0  }
0x1f: {  	s9 =	smul.u32 $0xF7A, s1;
	s8 =	simm.s32 @!p0 $0x1BF5;
	p2 =	por !p2, p0  }
0x20: {  	[sflag:s8] =	ssyncset.s32 @!p0 $0xFFFFF086;
	s6 =	sadd.s32 @!p0 s3, s7;
	s7 =	simm.s32 @!p0 $0x108  }
0x21: {  	s3 =	sadd.s32 s3, s9;
	s6 =	sadd.s32 @!p0 $0x88, s6;
	s7 =	simm.s32 @p2 $0x1082  }
0x22: {  	[simem:s7], [sflag:s8] =	dma.local @!p0 [hbm:s6], $0xF7A  }
0x23: {  	s9 =	sor.u32 $0xD0000000, s2;
	s6 =	simm.s32 $0x108;
	_ =	swait.ge @!p0 [sflag:s8], $0x0  }
0x24: {  	s3 =	sadd.s32 $0x88, s3;
	s6 =	simm.s32 @!p1 $0x1082;
	[sflag:s4] =	ssyncset.s32 $0xFFFFF086  }
0x25: {  	[simem:s6], [sflag:s4] =	dma.local [hbm:s3], $0xF7A  }
0x26: {  	[smem:$0x3F9C] =	sst s1;
	(tag) =	ssettag s2;
	_ =	strace s9  }
0x27: {  	s1 =	sld [smem:$0x3FAC]  }
0x28: {  	s2 =	sld [smem:$0x3FAD]  }
0x29: {  	s4 =	sld [smem:$0x3FAF]  }
0x2a: {  	p0 =	seq.s32 s5, $0x0;
	s5 =	sld [smem:$0x3FB0]  }
0x2b: {  	s6 =	sld [smem:$0x3FB1]  }
0x2c: {  	s7 =	sld [smem:$0x3FB2]  }
0x2d: {  	s3 =	simm.s32 $0x108;
	s8 =	sld [smem:$0x3FB3]  }
0x2e: {  	s3 =	simm.s32 @!p0 $0x1082;
	s9 =	sld [smem:$0x3FB4]  }
0x2f: {  	lr =	sadd.s32 s0, s3;
	s0 =	sld [smem:$0x3FAB]  }
0x30: {  	s3 =	sld [smem:$0x3FAE]  }
0x31: {  	[smem:$0x3FB7] =	sst s10  }
0x32: {  	s10 =	sld [smem:$0x3FB5];
	_ =	sdelay $0x3  }
0x33: {  	p0 =	seq.s32 s10, $0x1;
	s10 =	sld [smem:$0x3FB7];
	_ =	sdelay $0x3  }
0x34: {  	[smem:$0x3FB7] =	sst s10  }
0x35: {  	s10 =	sld [smem:$0x3FB6];
	_ =	sdelay $0x3  }
0x36: {  	p1 =	seq.s32 s10, $0x1;
	s10 =	sld [smem:$0x3FB7];
	_ =	sdelay $0x3  }
0x37: {  	[smem:$0x3FB7] =	sst s10  }
0x38: {  	s10 =	sld [smem:$0x3FB8]  }
0x39: {  	_ = 	snop;
	(pc) =	sbr.ind lr, $3  }
0x3a: {  	_ = 	snop  }
0x3b: {  	_ = 	snop  }
0x3c: {  	p2 =	seq.s32 s10, $0x1;
	s10 =	sld [smem:$0x3FB7]  }
0x3d: {  	_ =	shalt  }
0x3e: {  	_ =	shalt  }
0x3f: {  	_ =	shalt  }
0x40: {  	_ =	shalt  }
0x41: {  	_ =	shalt  }
0x42: {  	_ =	shalt  }
0x43: {  	_ =	shalt  }
0x44: {  	_ =	shalt  }
0x45: {  	_ =	shalt  }
0x46: {  	_ =	shalt  }
0x47: {  	_ =	shalt  }
0x48: {  	_ =	shalt  }
0x49: {  	_ =	shalt  }
0x4a: {  	_ =	shalt  }
0x4b: {  	_ =	shalt  }
0x4c: {  	_ =	shalt  }
0x4d: {  	_ =	shalt  }
0x4e: {  	_ =	shalt  }
0x4f: {  	_ =	shalt  }
0x50: {  	_ =	shalt  }
0x51: {  	_ =	shalt  }
0x52: {  	_ =	shalt  }
0x53: {  	_ =	shalt  }
0x54: {  	_ =	shalt  }
0x55: {  	_ =	shalt  }
0x56: {  	_ =	shalt  }
0x57: {  	_ =	shalt  }
0x58: {  	_ =	shalt  }
0x59: {  	_ =	shalt  }
0x5a: {  	_ =	shalt  }
0x5b: {  	_ =	shalt  }
0x5c: {  	_ =	shalt  }
0x5d: {  	_ =	shalt  }
0x5e: {  	_ =	shalt  }
0x5f: {  	_ =	shalt  }
0x60: {  	_ =	shalt  }
0x61: {  	_ =	shalt  }
0x62: {  	_ =	shalt  }
0x63: {  	_ =	shalt  }
0x64: {  	_ =	shalt  }
0x65: {  	_ =	shalt  }
0x66: {  	_ =	shalt  }
0x67: {  	_ =	shalt  }
0x68: {  	_ =	shalt  }
0x69: {  	_ =	shalt  }
0x6a: {  	_ =	shalt  }
0x6b: {  	_ =	shalt  }
0x6c: {  	_ =	shalt  }
0x6d: {  	_ =	shalt  }
0x6e: {  	_ =	shalt  }
0x6f: {  	_ =	shalt  }
0x70: {  	_ =	shalt  }
0x71: {  	_ =	shalt  }
0x72: {  	_ =	shalt  }
0x73: {  	_ =	shalt  }
0x74: {  	_ =	shalt  }
0x75: {  	_ =	shalt  }
0x76: {  	_ =	shalt  }
0x77: {  	_ =	shalt  }
0x78: {  	_ =	shalt  }
0x79: {  	_ =	shalt  }
0x7a: {  	_ =	shalt  }
0x7b: {  	_ =	shalt  }
0x7c: {  	_ =	shalt  }
0x7d: {  	_ =	shalt  }
0x7e: {  	_ =	shalt  }
0x7f: {  	_ =	shalt  }
0x80: {  	_ =	shalt  }
0x81: {  	_ =	shalt  }
0x82: {  	_ =	shalt  }
0x83: {  	_ =	shalt  }
0x84: {  	_ =	shalt  }
0x85: {  	_ =	shalt  }
0x86: {  	_ =	shalt  }
0x87: {  	_ =	shalt  }
.Lfunc_end0:
.L_simem_size_0:
called_computation_lowered:
.L_overlay_start_0:
0x88: {  	s2 =	sld [smem:$0x3FD9]  }
0x89: {  	s3 =	sld [smem:$0x3FFE];
	_ =	sdelay $0x1  }
0x8a: {  	s1 =	srdreg.scid  }
0x8b: {  	s0 =	sand.u32 $0x1, s1  }
0x8c: {  	s17 =	sshll.u32 s0, $0xA;
	s2 =	sadd.s32 s3, s2  }
0x8d: {  	s2 =	sadd.s32 s2, s17  }
0x8e: {  	[smem:$0x3FC3] =	sst s2  }
0x8f: {  	_ = 	snop  }
0x90: {  	s2 =	sld [smem:$0x3FC9]  }
0x91: {  	s18 =	sld [smem:$0x3FC8]  }
0x92: {  	s4 =	sld [smem:$0x3FC5]  }
0x93: {  	s5 =	sld [smem:$0x3FD0];
	(tm) =	ssettm $0x1  }
0x94: {  	s6 =	sld [smem:$0x3FFB];
	_ =	sdelay $0x3  }
0x95: {  	_ =	strace s6  }
0x96: {  	s6 =	sld [smem:$0x3FFC];
	_ =	sdelay $0x3  }
0x97: {  	_ =	strace s6  }
0x98: {  	s6 =	sld [smem:$0x3FFD];
	_ =	sdelay $0x3  }
0x99: {  	_ =	strace s6  }
0x9a: {  	_ =	strace $0x8FFFFFFF  }
0x9b: {  	s19 =	sld [smem:$0x3FDB];
	_ =	sdelay $0x1  }
0x9c: {  	s7 =	simm.s32 $_scs_section_size  }
0x9d: {  	s8 =	simm.s32 $_size__tile_overlayer_lowered;
	s9 =	simm.s32 $_tile_overlayer_lowered  }
0x9e: {  	s22 =	simm.s32 $0x1BFF;
	s21 =	sshll.u32 s9, $0x1;
	s6 =	sadd.s32 s7, s19  }
0x9f: {  	s10 =	simm.s32 $0x0;
	s20 =	sshll.u32 s8, $0x1;
	s8 =	sadd.s32 s21, s6  }
0xa0: {  	[timem:s10], [sflag:s22] =	dma.local [hbm:s8], s20  }
0xa1: {  	_ =	swait.ge [sflag:s22], s20  }
0xa2: {  	s7 =	ssub.s32 $0x0, s20;
	[sflag:s22] =	ssyncset.done $0x0  }
0xa3: {  	[sflag:s22] =	ssyncadd.s32 s7;
	_ =	sdelay $0x1  }
0xa4: {  	s23 =	simm.s32 $0x1B8B  }
0xa5: {  	_ =	swait.ge [sflag:s23], $0x1  }
0xa6: {  	[sflag:s23] =	ssyncset.done $0x0  }
0xa7: {  	s25 =	simm.s32 $0x1B8E;
	s24 =	sld [smem:$0x3FFE];
	[sflag:s23] =	ssyncadd.s32 $0xFFFFFFFF  }
0xa8: {  	s26 =	simm.s32 $execute0_lowered;
	[smem:$0x3FD2] =	sst s25  }
0xa9: {  	s8 =	sshll.u32 s26, $0x1;
	_ =	strace $0x80000046;
	[dreg:$0x1] =	wrdreg $0xFFFFFFFF  }
0xaa: {  	s28 =	simm.s32 $_size_execute0_lowered;
	s6 =	sadd.s32 s6, s8;
	[dreg:$0x0] =	wrdreg $0x0  }
0xab: {  	s8 =	sshll.u32 s28, $0x1;
	[dreg:$0x2] =	wrdreg s6  }
0xac: {  	[dreg:$0x3] =	wrdreg s8  }
0xad: {  	[dreg:$0x4] =	wrdreg $0xC0  }
0xae: {  	_ =	task [dreg:s10], $0x5FFFF  }
0xaf: {  	[dreg:$0x1] =	wrdreg $0xFFFFFFFF  }
0xb0: {  	[dreg:$0x0] =	wrdreg $0x60  }
0xb1: {  	[dreg:$0x2] =	wrdreg s2  }
0xb2: {  	[dreg:$0x3] =	wrdreg s18  }
0xb3: {  	[dreg:$0x4] =	wrdreg s24  }
0xb4: {  	[dreg:$0x5] =	wrdreg s4  }
0xb5: {  	[dreg:$0x6] =	wrdreg s5  }
0xb6: {  	[dreg:$0x7] =	wrdreg $0x9  }
0xb7: {  	_ =	task.clear_ibuf [dreg:s10], $0x8FFFF;
	_ =	strace $0x90000046  }
0xb8: {  	s29 =	simm.s32 $0x9;
	_ =	strace $0x80000048  }
0xb9: {  	_ =	swait.ge [sflag:s29], $0x1  }
0xba: {  	[sflag:s29] =	ssyncadd.s32 $0xFFFFFFFF  }
0xbb: {  	_ =	strace $0x90000048  }
0xbc: {  	_ =	sfence  }
0xbd: {  	s30 =	sld [smem:$0x0];
	_ =	sdelay $0x2  }
0xbe: {  	s31 =	sshll.u32 s1, $0xD;
	s1 =	sshrl.u32 s1, $0x2  }
0xbf: {  	s3 =	sand.u32 $0x4000, s31;
	s1 =	sadd.s32 s1, s30  }
0xc0: {  	s0 =	sor.u32 s3, s0;
	s1 =	sshll.u32 s1, $0x11  }
0xc1: {  	s0 =	sor.u32 s1, s0  }
0xc2: {  	s0 =	sadd.s32 $0x8F2B, s0  }
0xc3: {  	[sflag:s0] =	ssyncadd.remote.s32 $0x1  }
0xc4: {  	_ =	sfence.sel $0xFFFF  }
0xc5: {  	[dreg:$0x0] =	wrdreg $0xFFFFFFFF;
	(pc) =	sbr.abs _section_cstart, $3  }
0xc6: {  	[dreg:$0x1] =	wrdreg $0xFFFFFFFF  }
0xc7: {  	_ =	task.clear_ibuf [dreg:s10], $0x2FFFF;
	_ =	strace $0x9FFFFFFF  }
0xc8: {  	(tm) =	ssettm $0x7FFFFFFF  }
0xc9: {  	_ =	shalt  }
tec
execute0_lowered:
.L_overlay_start_1:
0x0: {  	(tag) =	ssettag $0x1  }
0x1: {  	s6 =	rddreg [dreg:$0x0]  }
0x2: {  	s7 =	rddreg [dreg:$0x1]  }
0x3: {  	s1 =	rddreg [dreg:$0x2]  }
0x4: {  	s2 =	rddreg [dreg:$0x3]  }
0x5: {  	s8 =	rddreg [dreg:$0x4]  }
0x6: {  	s0 =	rddreg [dreg:$0x5];
	s4 =	simm.s32 $0x0;
	s5 =	srdreg.scid  }
0x7: {  	s3 =	stileid.u32;
	s12 =	simm.s32 $0x2200;
	s13 =	simm.s32 $0x1  }
0x8: {  	s14 =	simm.s32 $0x80;
	s15 =	simm.s32 $0x2400;
	s16 =	simm.s32 $0x2600  }
0x9: {  	s17 =	simm.s32 $0x2480;
	s18 =	simm.s32 $0x2680;
	s19 =	simm.s32 $0x2500  }
0xa: {  	s20 =	simm.s32 $0x2700;
	s21 =	simm.s32 $0x2580;
	s22 =	simm.s32 $0x2780  }
0xb: {  	s23 =	simm.s32 $0x2;
	s24 =	simm.s32 $0x0;
	s5 =	sand.u32 $0x1, s5  }
0xc: {  	[smem:$0x7FF] =	sst s4;
	s10 =	sshll.u32 s3, $0x7;
	s9 =	ssub.s32 $0x2, s5  }
0xd: {  	s5 =	sshll.u32 s5, $0x6;
	_ =	strace $0x80000047;
	s11 =	sshrl.u32 s9, $0x1  }
0xe: {  	v0 =	vimm.s32 $0x400;
	s10 =	sor.u32 s5, s10;
	s5 =	sadd.s32 $0x200, s1;
	s9 =	ssub.s32 s9, s11  }
0xf: {  	v1 =	vimm.s32 $0x0;
	v2 =	vimm.s32 $0x800;
	v3 =	vimm.s32 $0x200;
	s6 =	sadd.s32 s6, s10;
	s7 =	sadd.s32 s7, s10;
	s8 =	sadd.s32 s8, s10  }
0x10: {  	v4 =	vimm.s32 $0x1;
	v5 =	vimm.s32 $0xC00;
	v6 =	vimm.s32 $0xA00;
	s10 =	simm.s32 $0x1000;
	s11 =	simm.s32 $0x2000;
	s9 =	smax.u32 s9, $0x1  }
.LBB2_1:
0x11: {  	[tilespmem:s4], [sflag:$0x1] =	stream.linear.gather [hbm4b:s1+s4], $0x1000, $0x38;
	[tilespmem:$0x2800] =	vst v63  }
0x12: {  	_ = 	snop  }
0x13: {  	[tilespmem:s10], [sflag:$0x1] =	stream.linear.gather [hbm4b:s5+s4], $0x1000, $0x38;
	[tilespmem:$0x2800] =	vst v63  }
0x14: {  	_ = 	snop  }
0x15: {  	[tilespmem:s11], [sflag:$0x1] =	stream.linear.gather [hbm4b:s6+s4], $0x200, $0x38;
	[tilespmem:$0x2800] =	vst v63  }
0x16: {  	_ = 	snop  }
0x17: {  	[tilespmem:s12], [sflag:$0x1] =	stream.linear.gather [hbm4b:s7+s4], $0x200, $0x38;
	[tilespmem:$0x2800] =	vst v63  }
0x18: {  	_ =	swait.ge [sflag:s13], $0x1000  }
0x19: {  	[sflag:s13] =	ssyncset.done $0x0  }
0x1a: {  	[sflag:s13] =	ssyncadd.s32 $0xFFFFF000  }
0x1b: {  	_ =	swait.ge [sflag:s13], $0x1000  }
0x1c: {  	[sflag:s13] =	ssyncset.done $0x0  }
0x1d: {  	[sflag:s13] =	ssyncadd.s32 $0xFFFFF000  }
0x1e: {  	_ =	swait.ge [sflag:s13], $0x200  }
0x1f: {  	[sflag:s13] =	ssyncset.done $0x0  }
0x20: {  	[sflag:s13] =	ssyncadd.s32 $0xFFFFFE00  }
0x21: {  	_ =	swait.ge [sflag:s13], $0x200  }
0x22: {  	[sflag:s13] =	ssyncset.done $0x0  }
0x23: {  	[sflag:s13] =	ssyncadd.s32 $0xFFFFFE00  }
0x24: {  	s25 =	simm.s32 $0x0;
	v7 =	vld.idx.msk [tilespmem:v0+s4+$0x0], $0xffff  }
0x25: {  	v10 =	vld [tilespmem:s25+$0x2000]  }
0x26: {  	v9 =	vld [tilespmem:s25+$0x2200];
	_ =	sdelay $0x1  }
0x27: {  	v8 =	vld.idx.msk [tilespmem:v5+s4+$0x0], $0xffff;
	_ =	sdelay $0x1  }
0x28: {  	vm0 =	vlt.u32 v7, v10  }
0x29: {  	v11 =	vand.u32 $0x7FFFFFFF, v9;
	v7 =	vsel vm0, $0x600, v3  }
0x2a: {  	v14 =	vxor.u32 $0x80000000, v11  }
0x2b: {  	vm1 =	vlt.u32 v8, v14  }
0x2c: {  	v8 =	vsel vm1, $0xE00, v6;
	_ =	sdelay $0x1  }
0x2d: {  	v11 =	vld.idx.msk [tilespmem:v7+s4+$0x0], $0xffff;
	_ =	sdelay $0x2  }
0x2e: {  	v12 =	vld.idx.msk [tilespmem:v8+s4+$0x0], $0xffff;
	_ =	sdelay $0x1  }
0x2f: {  	v13 =	vsel vm0, $0x800, v0;
	v15 =	vor.u32 $0x1, v7;
	vm2 =	vlt.u32 v11, v10  }
0x30: {  	v16 =	vsel vm1, $0xC01, v2;
	v11 =	vsel vm0, $0x401, v1;
	v7 =	vsel vm2, v13, v7  }
0x31: {  	v17 =	vsel vm1, $0x1000, v5;
	v11 =	vsel vm2, v15, v11;
	v13 =	vadd.s32 $0xFFFFFFFF, v7  }
0x32: {  	vm8 =	vlt.u32 v12, v14;
	v12 =	vor.u32 $0x1, v8;
	v15 =	vxor.u32 v13, v11  }
0x33: {  	v13 =	vor.u32 v13, v11;
	v12 =	vsel vm8, v12, v16;
	v15 =	vshrl.u32 v15, $0x1  }
0x34: {  	v8 =	vsel vm8, v17, v8;
	v13 =	vsub.s32 v13, v15;
	v15 =	vadd.s32 $0xFFFFFFFF, v12  }
0x35: {  	v15 =	vadd.s32 v15, v8  }
0x36: {  	v15 =	vadd.s32 $0x1, v15  }
0x37: {  	v15 =	vshrl.u32 v15, $0x1;
	_ =	sdelay $0x1  }
0x38: {  	v16 =	vld.idx.msk [tilespmem:v13+s4+$0x0], $0xffff;
	_ =	sdelay $0x2  }
0x39: {  	v17 =	vld.idx.msk [tilespmem:v15+s4+$0x0], $0xffff;
	_ =	sdelay $0x1  }
0x3a: {  	v18 =	vor.u32 $0x1, v13;
	vm9 =	vlt.u32 v16, v10  }
0x3b: {  	v11 =	vsel vm9, v18, v11;
	v7 =	vsel vm9, v7, v13  }
0x3c: {  	v18 =	vor.u32 $0x1, v15;
	v16 =	vxor.u32 v7, v11  }
0x3d: {  	v13 =	vand.u32 v7, v11;
	v16 =	vshrl.u32 v16, $0x1;
	vm10 =	vlt.u32 v17, v14  }
0x3e: {  	v13 =	vadd.s32 v16, v13;
	v12 =	vsel vm10, v18, v12  }
0x3f: {  	v15 =	vsel vm10, v8, v15;
	v8 =	vadd.s32 $0xFFFFFFFF, v12  }
0x40: {  	v16 =	vxor.u32 v8, v15  }
0x41: {  	v8 =	vor.u32 v8, v15;
	v16 =	vshrl.u32 v16, $0x1  }
0x42: {  	v16 =	vsub.s32 v8, v16  }
0x43: {  	v8 =	vld.idx.msk [tilespmem:v13+s4+$0x0], $0xffff;
	_ =	sdelay $0x3  }
0x44: {  	v17 =	vld.idx.msk [tilespmem:v16+s4+$0x0], $0xffff  }
0x45: {  	v18 =	vadd.s32 $0x1, v13;
	vm11 =	vlt.u32 v8, v10  }
0x46: {  	v11 =	vsel vm11, v18, v11;
	v13 =	vsel vm11, v7, v13  }
0x47: {  	v7 =	vadd.s32 v13, v11  }
0x48: {  	s26 =	simm.s32 $0x10;
	v18 =	vshrl.u32 v7, $0x1  }
0x49: {  	v8 =	vld [tilespmem:s26+$0x2000];
	vm12 =	vlt.u32 v17, v14;
	v17 =	vadd.s32 $0x1, v16  }
0x4a: {  	v7 =	vld.idx.msk [tilespmem:v0+s4+$0x0], $0xffff;
	v12 =	vsel vm12, v17, v12;
	v15 =	vsel vm12, v15, v16  }
0x4b: {  	v16 =	vadd.s32 v15, v12  }
0x4c: {  	v16 =	vshrl.u32 v16, $0x1  }
0x4d: {  	v17 =	vld.idx.msk [tilespmem:v18+s4+$0x0], $0xffff;
	_ =	sdelay $0x1  }
0x4e: {  	vm13 =	vlt.u32 v7, v8  }
0x4f: {  	v7 =	vld [tilespmem:s26+$0x2200];
	v19 =	vsel vm13, $0x600, v3  }
0x50: {  	v20 =	vld.idx.msk [tilespmem:v16+s4+$0x0], $0xffff  }
0x51: {  	v21 =	vld.idx.msk [tilespmem:v5+s4+$0x0], $0xffff;
	vm14 =	vlt.u32 v17, v10;
	v17 =	vadd.s32 $0x1, v18  }
0x52: {  	v11 =	vsel vm14, v17, v11;
	v17 =	vsel vm14, v13, v18  }
0x53: {  	v13 =	vadd.s32 v17, v11  }
0x54: {  	v18 =	vand.u32 $0x7FFFFFFF, v7;
	v22 =	vld.idx.msk [tilespmem:v19+s4+$0x0], $0xffff;
	v23 =	vshrl.u32 v13, $0x1  }
0x55: {  	v13 =	vxor.u32 $0x80000000, v18;
	v18 =	vadd.s32 $0x1, v16;
	vm15 =	vlt.u32 v20, v14  }
0x56: {  	vm4 =	vlt.u32 v21, v13;
	v12 =	vsel vm15, v18, v12;
	v15 =	vsel vm15, v15, v16  }
0x57: {  	v16 =	vsel vm4, $0xE00, v6;
	v18 =	vadd.s32 v15, v12  }
0x58: {  	v18 =	vshrl.u32 v18, $0x1  }
0x59: {  	v20 =	vsel vm13, $0x800, v0;
	vm5 =	vlt.u32 v22, v8;
	v21 =	vld.idx.msk [tilespmem:v23+s4+$0x0], $0xffff  }
0x5a: {  	v24 =	vor.u32 $0x1, v19;
	v22 =	vsel vm13, $0x401, v1;
	v19 =	vsel vm5, v20, v19  }
0x5b: {  	v20 =	vsel vm5, v24, v22;
	v22 =	vadd.s32 $0xFFFFFFFF, v19  }
0x5c: {  	v24 =	vxor.u32 v22, v20;
	v25 =	vld.idx.msk [tilespmem:v16+s4+$0x0], $0xffff  }
0x5d: {  	v22 =	vor.u32 v22, v20;
	v24 =	vshrl.u32 v24, $0x1;
	v26 =	vld.idx.msk [tilespmem:v18+s4+$0x0], $0xffff  }
0x5e: {  	v22 =	vsub.s32 v22, v24;
	vm6 =	vlt.u32 v21, v10;
	v21 =	vadd.s32 $0x1, v23  }
0x5f: {  	v11 =	vsel vm6, v21, v11;
	v17 =	vsel vm6, v17, v23  }
0x60: {  	v21 =	vadd.s32 v17, v11  }
0x61: {  	v24 =	vadd.s32 $0x1, v18;
	v21 =	vshrl.u32 v21, $0x1  }
0x62: {  	v23 =	vsel vm4, $0xC01, v2;
	vm7 =	vlt.u32 v25, v13;
	vm8 =	vlt.u32 v26, v14  }
0x63: {  	v25 =	vld.idx.msk [tilespmem:v22+s4+$0x0], $0xffff;
	v26 =	vor.u32 $0x1, v16;
	v12 =	vsel vm8, v24, v12;
	v15 =	vsel vm8, v15, v18  }
0x64: {  	v18 =	vsel vm4, $0x1000, v5;
	v23 =	vsel vm7, v26, v23;
	v24 =	vadd.s32 v15, v12  }
0x65: {  	v16 =	vsel vm7, v18, v16;
	v18 =	vadd.s32 $0xFFFFFFFF, v23;
	v24 =	vshrl.u32 v24, $0x1  }
0x66: {  	v18 =	vadd.s32 v18, v16;
	v26 =	vld.idx.msk [tilespmem:v21+s4+$0x0], $0xffff  }
0x67: {  	v18 =	vadd.s32 $0x1, v18  }
0x68: {  	v27 =	vor.u32 $0x1, v22;
	vm9 =	vlt.u32 v25, v8;
	v18 =	vshrl.u32 v18, $0x1  }
0x69: {  	v20 =	vsel vm9, v27, v20;
	v19 =	vsel vm9, v19, v22  }
0x6a: {  	v22 =	vand.u32 v19, v20;
	v25 =	vxor.u32 v19, v20;
	v27 =	vld.idx.msk [tilespmem:v24+s4+$0x0], $0xffff  }
0x6b: {  	v25 =	vshrl.u32 v25, $0x1;
	vm10 =	vlt.u32 v26, v10;
	v26 =	vadd.s32 $0x1, v21  }
0x6c: {  	v22 =	vadd.s32 v25, v22;
	v25 =	vsel vm10, v26, v11;
	v17 =	vsel vm10, v17, v21  }
0x6d: {  	v11 =	vld.idx.msk [tilespmem:v18+s4+$0x0], $0xffff;
	v21 =	vadd.s32 v17, v25  }
0x6e: {  	v21 =	vshrl.u32 v21, $0x1  }
0x6f: {  	v26 =	vadd.s32 $0x1, v24;
	vm11 =	vlt.u32 v27, v14  }
0x70: {  	v26 =	vsel vm11, v26, v12;
	v15 =	vsel vm11, v15, v24  }
0x71: {  	v12 =	vld.idx.msk [tilespmem:v22+s4+$0x0], $0xffff;
	v24 =	vadd.s32 v15, v26  }
0x72: {  	v27 =	vor.u32 $0x1, v18;
	vm12 =	vlt.u32 v11, v13;
	v24 =	vshrl.u32 v24, $0x1  }
0x73: {  	v23 =	vsel vm12, v27, v23;
	v27 =	vld.idx.msk [tilespmem:v21+s4+$0x0], $0xffff  }
0x74: {  	v16 =	vsel vm12, v16, v18;
	v11 =	vadd.s32 $0xFFFFFFFF, v23  }
0x75: {  	v18 =	vadd.s32 $0x1, v22;
	v28 =	vxor.u32 v11, v16  }
0x76: {  	v29 =	vld.idx.msk [tilespmem:v0+s4+$0x0], $0xffff;
	v11 =	vor.u32 v11, v16;
	vm13 =	vlt.u32 v12, v8;
	v12 =	vshrl.u32 v28, $0x1  }
0x77: {  	s28 =	simm.s32 $0x20;
	v18 =	vsel vm13, v18, v20;
	v19 =	vsel vm13, v19, v22;
	v20 =	vsub.s32 v11, v12;
	v22 =	vld.idx.msk [tilespmem:v24+s4+$0x0], $0xffff  }
0x78: {  	v11 =	vld [tilespmem:s28+$0x2000];
	v12 =	vadd.s32 v19, v18;
	vm14 =	vlt.u32 v27, v10;
	v27 =	vadd.s32 $0x1, v21  }
0x79: {  	v28 =	vshrl.u32 v12, $0x1;
	v25 =	vsel vm14, v27, v25;
	v17 =	vsel vm14, v17, v21  }
0x7a: {  	v21 =	vadd.s32 v17, v25  }
0x7b: {  	v12 =	vld [tilespmem:s28+$0x2200];
	v21 =	vshrl.u32 v21, $0x1  }
0x7c: {  	v27 =	vld.idx.msk [tilespmem:v20+s4+$0x0], $0xffff;
	vm15 =	vlt.u32 v22, v14;
	v22 =	vadd.s32 $0x1, v24  }
0x7d: {  	v33 =	vld.idx.msk [tilespmem:v5+s4+$0x0], $0xffff;
	vm4 =	vlt.u32 v29, v11;
	v22 =	vsel vm15, v22, v26;
	v24 =	vsel vm15, v15, v24  }
0x7e: {  	v26 =	vsel vm4, $0x600, v3;
	v29 =	vld.idx.msk [tilespmem:v28+s4+$0x0], $0xffff;
	v15 =	vadd.s32 v24, v22  }
0x7f: {  	v30 =	vshrl.u32 v15, $0x1  }
0x80: {  	v15 =	vand.u32 $0x7FFFFFFF, v12;
	v31 =	vld.idx.msk [tilespmem:v21+s4+$0x0], $0xffff  }
0x81: {  	vm5 =	vlt.u32 v27, v13;
	v27 =	vadd.s32 $0x1, v20;
	v15 =	vxor.u32 $0x80000000, v15  }
0x82: {  	v23 =	vsel vm5, v27, v23;
	v20 =	vsel vm5, v16, v20;
	v27 =	vadd.s32 $0x1, v28  }
0x83: {  	vm8 =	vlt.u32 v33, v15;
	v16 =	vld.idx.msk [tilespmem:v26+s4+$0x0], $0xffff;
	vm6 =	vlt.u32 v29, v8;
	v29 =	vadd.s32 v20, v23  }
0x84: {  	v18 =	vsel vm6, v27, v18;
	v19 =	vsel vm6, v19, v28;
	v27 =	vshrl.u32 v29, $0x1;
	v28 =	vld.idx.msk [tilespmem:v30+s4+$0x0], $0xffff  }
0x85: {  	v29 =	vadd.s32 v19, v18;
	vm7 =	vlt.u32 v31, v10;
	v31 =	vadd.s32 $0x1, v21  }
0x86: {  	v34 =	vshrl.u32 v29, $0x1;
	v31 =	vsel vm7, v31, v25;
	v21 =	vsel vm7, v17, v21  }
0x87: {  	v32 =	vsel vm4, $0x401, v1;
	v35 =	vsel vm8, $0xE00, v6;
	v29 =	vadd.s32 v21, v31  }
0x88: {  	v17 =	vsel vm4, $0x800, v0;
	v25 =	vor.u32 $0x1, v26;
	v61 =	vshrl.u32 v29, $0x1  }
0x89: {  	vm9 =	vlt.u32 v16, v11;
	v29 =	vadd.s32 $0x1, v30;
	vm10 =	vlt.u32 v28, v14;
	v28 =	vld.idx.msk [tilespmem:v27+s4+$0x0], $0xffff  }
0x8a: {  	v16 =	vsel vm9, v17, v26;
	v36 =	vsel vm10, v29, v22;
	v37 =	vsel vm10, v24, v30  }
0x8b: {  	v17 =	vsel vm9, v25, v32;
	v25 =	vadd.s32 $0xFFFFFFFF, v16;
	v24 =	vld.idx.msk [tilespmem:v34+s4+$0x0], $0xffff;
	v22 =	vadd.s32 v37, v36  }
0x8c: {  	v38 =	vshrl.u32 v22, $0x1;
	v22 =	vxor.u32 v25, v17  }
0x8d: {  	v25 =	vor.u32 v25, v17;
	v62 =	vld.idx.msk [tilespmem:v61+s4+$0x0], $0xffff;
	v22 =	vshrl.u32 v22, $0x1  }
0x8e: {  	v22 =	vsub.s32 v25, v22;
	vm11 =	vlt.u32 v28, v13;
	v25 =	vadd.s32 $0x1, v27  }
0x8f: {  	v40 =	vsel vm8, $0x1000, v5;
	v39 =	vld.idx.msk [tilespmem:v35+s4+$0x0], $0xffff;
	v28 =	vsel vm11, v25, v23;
	v29 =	vsel vm11, v20, v27  }
0x90: {  	vm12 =	vlt.u32 v24, v8;
	v20 =	vadd.s32 $0x1, v34;
	v23 =	vadd.s32 v29, v28  }
0x91: {  	v26 =	vsel vm12, v20, v18;
	v25 =	vsel vm12, v19, v34;
	v19 =	vadd.s32 $0x1, v61;
	v41 =	vld.idx.msk [tilespmem:v38+s4+$0x0], $0xffff  }
0x92: {  	v30 =	vshrl.u32 v23, $0x1;
	v18 =	vadd.s32 v25, v26;
	vm13 =	vlt.u32 v62, v10  }
0x93: {  	v27 =	vshrl.u32 v18, $0x1;
	v20 =	vsel vm13, v19, v31;
	v21 =	vsel vm13, v21, v61  }
0x94: {  	v63 =	vor.u32 $0x1, v35;
	vm14 =	vlt.u32 v39, v15;
	v24 =	vld.idx.msk [tilespmem:v22+s4+$0x0], $0xffff;
	v19 =	vadd.s32 v21, v20  }
0x95: {  	v18 =	vsel vm8, $0xC01, v2;
	v31 =	vsel vm14, v40, v35;
	v23 =	vshrl.u32 v19, $0x1  }
0x96: {  	v32 =	vsel vm14, v63, v18;
	v18 =	vadd.s32 $0x1, v38;
	vm15 =	vlt.u32 v41, v14  }
0x97: {  	s29 =	simm.s32 $0xC0;
	v34 =	vadd.s32 $0xFFFFFFFF, v32;
	v33 =	vld.idx.msk [tilespmem:v30+s4+$0x0], $0xffff;
	v18 =	vsel vm15, v18, v36;
	v19 =	vsel vm15, v37, v38  }
.LBB2_2:
0x98: {  	p0 =	sne.s32 s29, $0x7C0;
	v35 =	vor.u32 $0x1, v22;
	v34 =	vadd.s32 v34, v31;
	v36 =	vld.idx.msk [tilespmem:v27+s4+$0x0], $0xffff;
	v37 =	vadd.s32 v19, v18  }
0x99: {  	vm0 =	vlt.u32 v24, v11;
	v24 =	vadd.s32 $0x1, v34;
	v34 =	vshrl.u32 v37, $0x1  }
0x9a: {  	v17 =	vsel vm0, v35, v17;
	v16 =	vsel vm0, v16, v22;
	v35 =	vshrl.u32 v24, $0x1;
	v37 =	vld.idx.msk [tilespmem:v23+s4+$0x0], $0xffff  }
0x9b: {  	s30 =	sshra.s32 s29, $0x2;
	v39 =	vand.u32 v16, v17;
	v22 =	vxor.u32 v16, v17;
	v38 =	vld.idx.msk [tilespmem:v0+s4+$0x0], $0xffff  }
0x9c: {  	v40 =	vshrl.u32 v22, $0x1;
	vm0 =	vlt.u32 v33, v13;
	v33 =	vadd.s32 $0x1, v30;
	v24 =	vld [tilespmem:s30+$0x2000]  }
0x9d: {  	v39 =	vadd.s32 v40, v39;
	v28 =	vsel vm0, v33, v28;
	v29 =	vsel vm0, v29, v30;
	v22 =	vld [tilespmem:s30+$0x2200]  }
0x9e: {  	v30 =	vadd.s32 $0x1, v27;
	vm0 =	vlt.u32 v36, v8;
	v33 =	vadd.s32 v29, v28;
	v36 =	vld.idx.msk [tilespmem:v34+s4+$0x0], $0xffff  }
0x9f: {  	v26 =	vsel vm0, v30, v26;
	v30 =	vshrl.u32 v33, $0x1;
	v40 =	vld.idx.msk [tilespmem:v35+s4+$0x0], $0xffff  }
0xa0: {  	v25 =	vsel vm0, v25, v27;
	v27 =	vadd.s32 $0x1, v23;
	vm0 =	vlt.u32 v37, v10  }
0xa1: {  	v33 =	vadd.s32 v25, v26;
	v20 =	vsel vm0, v27, v20;
	v21 =	vsel vm0, v21, v23  }
0xa2: {  	v23 =	vshrl.u32 v33, $0x1;
	vm0 =	vlt.u32 v38, v24;
	v21 =	vadd.s32 v21, v20  }
0xa3: {  	v37 =	vor.u32 $0x1, v35;
	v27 =	vand.u32 $0x7FFFFFFF, v22;
	v21 =	vshrl.u32 v21, $0x1;
	v33 =	vld.idx.msk [tilespmem:v39+s4+$0x0], $0xffff  }
0xa4: {  	v21 =	vmin.u32 v21, $0x7FF;
	vm1 =	vlt.u32 v36, v14;
	v36 =	vadd.s32 $0x1, v34  }
0xa5: {  	vm2 =	vlt.u32 v40, v15;
	v36 =	vsel vm1, v36, v18;
	v18 =	vsel vm1, v19, v34;
	v38 =	vld.idx.msk [tilespmem:v30+s4+$0x0], $0xffff  }
0xa6: {  	v19 =	vsel vm0, $0x600, v3;
	v32 =	vsel vm2, v37, v32;
	v18 =	vadd.s32 v18, v36  }
0xa7: {  	v31 =	vsel vm2, v31, v35;
	v34 =	vadd.s32 $0xFFFFFFFF, v32;
	v18 =	vshrl.u32 v18, $0x1;
	v35 =	vld.idx.msk [tilespmem:v23+s4+$0x0], $0xffff  }
0xa8: {  	v37 =	vadd.s32 $0x1, v39;
	v40 =	vxor.u32 v34, v31;
	v18 =	vmin.u32 v18, $0xFFF  }
0xa9: {  	vm1 =	vlt.u32 v33, v11;
	v33 =	vor.u32 v34, v31;
	v34 =	vshrl.u32 v40, $0x1;
	v40 =	vld.idx.msk [tilespmem:v21+s4+$0x0], $0xffff  }
0xaa: {  	v37 =	vsel vm1, v37, v17;
	v39 =	vsel vm1, v16, v39;
	v33 =	vsub.s32 v33, v34  }
0xab: {  	v17 =	vadd.s32 $0x1, v30;
	v16 =	vadd.s32 v39, v37;
	vm1 =	vlt.u32 v38, v13  }
0xac: {  	v38 =	vshrl.u32 v16, $0x1;
	v28 =	vsel vm1, v17, v28;
	v29 =	vsel vm1, v29, v30;
	v34 =	vld.idx.msk [tilespmem:v5+s4+$0x0], $0xffff  }
0xad: {  	v16 =	vadd.s32 $0x1, v23;
	vm1 =	vlt.u32 v35, v8;
	v17 =	vadd.s32 v29, v28;
	v30 =	vld.idx.msk [tilespmem:v18+s4+$0x0], $0xffff  }
0xae: {  	v26 =	vsel vm1, v16, v26;
	v23 =	vsel vm1, v25, v23;
	v25 =	vshrl.u32 v17, $0x1;
	v35 =	vld.idx.msk [tilespmem:v19+s4+$0x0], $0xffff  }
0xaf: {  	v17 =	vadd.s32 $0x1, v21;
	v16 =	vadd.s32 v23, v26;
	vm1 =	vlt.u32 v40, v10  }
0xb0: {  	v21 =	vsel vm0, $0x401, v1;
	v41 =	vshrl.u32 v16, $0x1;
	v42 =	vsel vm1, v17, v20;
	v40 =	vld.idx.msk [tilespmem:v33+s4+$0x0], $0xffff  }
0xb1: {  	v16 =	vxor.u32 $0x80000000, v27;
	v20 =	vsel vm0, $0x800, v0;
	v27 =	vmin.u32 v42, $0x7FF  }
0xb2: {  	v17 =	vor.u32 $0x1, v19;
	v43 =	vmax.u32 v42, $0x1;
	vm0 =	vlt.u32 v34, v16;
	v34 =	vld.idx.msk [tilespmem:v38+s4+$0x0], $0xffff  }
0xb3: {  	v43 =	vsub.s32 v43, v4;
	vm1 =	vlt.u32 v30, v14;
	v30 =	vadd.s32 $0x1, v18;
	v14 =	vmovc v13;
	v44 =	vld.idx.msk [tilespmem:v25+s4+$0x0], $0xffff  }
0xb4: {  	v18 =	vsel vm0, $0xE00, v6;
	v13 =	vmovc v15;
	v15 =	vmovc v16;
	vm2 =	vlt.u32 v35, v24;
	v30 =	vsel vm1, v30, v36  }
0xb5: {  	v17 =	vsel vm2, v17, v21;
	v16 =	vsel vm2, v20, v19;
	v36 =	vmin.u32 v30, $0xFFF;
	v35 =	vld.idx.msk [tilespmem:v41+s4+$0x0], $0xffff  }
0xb6: {  	v19 =	vadd.s32 $0x1, v33;
	v21 =	vmax.u32 v30, $0x801;
	vm1 =	vlt.u32 v40, v13;
	v40 =	vld.idx.msk [tilespmem:v27+s10+$0x0], $0xffff  }
0xb7: {  	v19 =	vsel vm1, v19, v32;
	v20 =	vsel vm1, v31, v33;
	v31 =	vadd.s32 $0xFFFFFFFF, v21;
	v27 =	vld.idx.msk [tilespmem:v27+s4+$0x0], $0xffff  }
0xb8: {  	v21 =	vadd.s32 $0x1, v38;
	vm1 =	vlt.u32 v34, v11;
	v32 =	vadd.s32 v20, v19;
	v33 =	vld.idx.msk [tilespmem:v43+s10+$0x0], $0xffff  }
0xb9: {  	v34 =	vadd.s32 $0x1, v25;
	v21 =	vsel vm1, v21, v37;
	vm2 =	vlt.u32 v44, v14;
	v37 =	vld.idx.msk [tilespmem:v43+s4+$0x0], $0xffff  }
0xba: {  	v38 =	vsel vm1, v39, v38;
	v28 =	vsel vm2, v34, v28;
	v25 =	vsel vm2, v29, v25;
	v29 =	vld.idx.msk [tilespmem:v36+s10+$0x0], $0xffff  }
0xbb: {  	v32 =	vshrl.u32 v32, $0x1;
	v34 =	vadd.s32 v38, v21;
	v39 =	vadd.s32 v25, v28;
	v36 =	vld.idx.msk [tilespmem:v36+s4+$0x0], $0xffff  }
0xbc: {  	vm1 =	vlt.u32 v35, v8;
	v35 =	vadd.s32 $0x1, v41;
	v39 =	vshrl.u32 v39, $0x1;
	v43 =	vld.idx.msk [tilespmem:v31+s4+$0x0], $0xffff  }
0xbd: {  	v34 =	vshrl.u32 v34, $0x1;
	v35 =	vsel vm1, v35, v26;
	v26 =	vadd.s32 $0x1, v39  }
0xbe: {  	vm4 =	veq.s32 v42, $0x800;
	v23 =	vsel vm1, v23, v41;
	vm1 =	veq.s32 v42, $0x0;
	v31 =	vld.idx.msk [tilespmem:v31+s10+$0x0], $0xffff  }
0xbf: {  	vm3 =	veq.s32 v30, $0x1000;
	vm2 =	veq.s32 v30, $0x800;
	v40 =	vand.u32 $0xFFF, v40  }
0xc0: {  	v27 =	vand.u32 $0x7FFFFFFF, v27;
	v33 =	vand.u32 $0xFFF, v33;
	v30 =	vand.u32 $0x7FFFFFFF, v37  }
0xc1: {  	v27 =	vsub.f32 v27, v10;
	v37 =	vmin.u32 v33, v40;
	v30 =	vsub.f32 v30, v10;
	v10 =	vmovc v8  }
0xc2: {  	v29 =	vand.u32 $0xFFF, v29;
	v8 =	vmovc v11;
	v11 =	vmovc v24;
	v36 =	vand.u32 $0x7FFFFFFF, v36;
	v41 =	vand.u32 $0x7FFFFFFF, v43  }
0xc3: {  	v24 =	vand.u32 $0x7FFFFFFF, v27;
	v36 =	vsub.f32 v36, v9;
	v27 =	vsub.f32 v41, v9;
	v9 =	vmovc v7;
	v7 =	vmovc v12  }
0xc4: {  	v24 =	vsel vm4, $0x7F800000, v24;
	v30 =	vand.u32 $0x7FFFFFFF, v30;
	v12 =	vmovc v22;
	v31 =	vand.u32 $0xFFF, v31  }
0xc5: {  	v36 =	vand.u32 $0x7FFFFFFF, v36;
	v27 =	vand.u32 $0x7FFFFFFF, v27;
	v41 =	vmin.u32 v31, v29;
	v22 =	vld.idx.msk [tilespmem:v39+s4+$0x0], $0xffff  }
0xc6: {  	v30 =	vsel vm1, $0x7F800000, v30;
	v36 =	vsel vm3, $0x7F800000, v36;
	v27 =	vsel vm2, $0x7F800000, v27  }
0xc7: {  	vm1 =	vlt.f32 v30, v24;
	vm2 =	vlt.f32 v24, v30;
	vm3 =	vlt.f32 v36, v27  }
0xc8: {  	v24 =	vsel vm2, v40, v37;
	vm2 =	vlt.f32 v27, v36;
	v27 =	vsel vm3, v29, v41  }
0xc9: {  	v29 =	vadd.s32 v23, v35;
	v24 =	vsel vm1, v33, v24;
	v27 =	vsel vm2, v31, v27  }
0xca: {  	v31 =	vshrl.u32 v29, $0x1;
	v29 =	vshll.u32 v24, $0x1;
	v30 =	vshrl.u32 v27, $0x7  }
0xcb: {  	vm1 =	vlt.u32 v22, v14;
	v22 =	vand.u32 $0x1FF0, v29;
	v29 =	vadd.s32 $0x3FFFF0, v30  }
0xcc: {  	v24 =	vshll.u32 v24, $0x7;
	v36 =	vsel vm1, v26, v28;
	v22 =	vadd.s32 v22, v29;
	v30 =	vld.idx.msk [tilespmem:v32+s4+$0x0], $0xffff  }
0xcd: {  	v24 =	vand.u32 $0x380, v24;
	v37 =	vsel vm1, v25, v39;
	v22 =	vshll.u32 v22, $0xA  }
0xce: {  	v26 =	vadd.s32 v37, v36;
	v22 =	vor.u32 v24, v22;
	v24 =	vand.u32 $0x7F, v27;
	v25 =	vld.idx.msk [tilespmem:v34+s4+$0x0], $0xffff  }
0xcf: {  	v27 =	vadd.s32 $0xFFFFFFFF, v16;
	v39 =	vshrl.u32 v26, $0x1;
	v22 =	vor.u32 v24, v22  }
0xd0: {  	v24 =	vxor.u32 v27, v17;
	v33 =	vld.idx.msk [tilespmem:v31+s4+$0x0], $0xffff;
	[tilespmem:s25+$0x2400] =	vst v22;
	s25 =	smov.u32 s26;
	s26 =	smov.u32 s28;
	s28 =	smov.u32 s30  }
0xd1: {  	v24 =	vshrl.u32 v24, $0x1;
	v22 =	vor.u32 v27, v17  }
0xd2: {  	v22 =	vsub.s32 v22, v24;
	vm1 =	vlt.u32 v30, v13;
	v24 =	vadd.s32 $0x1, v32;
	v40 =	vld.idx.msk [tilespmem:v18+s4+$0x0], $0xffff  }
0xd3: {  	v41 =	vsel vm0, $0x1000, v5;
	v28 =	vsel vm1, v24, v19;
	v29 =	vsel vm1, v20, v32  }
0xd4: {  	v19 =	vadd.s32 $0x1, v34;
	vm1 =	vlt.u32 v25, v8;
	v20 =	vadd.s32 v29, v28;
	v42 =	vld.idx.msk [tilespmem:v39+s4+$0x0], $0xffff  }
0xd5: {  	v26 =	vsel vm1, v19, v21;
	v25 =	vsel vm1, v38, v34;
	v30 =	vshrl.u32 v20, $0x1  }
0xd6: {  	v20 =	vadd.s32 $0x1, v31;
	v19 =	vadd.s32 v25, v26;
	vm1 =	vlt.u32 v33, v10  }
.Ltmp0:
0xd7: {  	v27 =	vshrl.u32 v19, $0x1;
	v20 =	vsel vm1, v20, v35;
	v21 =	vsel vm1, v23, v31;
	v24 =	vld.idx.msk [tilespmem:v22+s4+$0x0], $0xffff;
	(pc) =	sbr.rel @p0 .LBB2_2-.Ltmp0, $4  }
0xd8: {  	v19 =	vsel vm0, $0xC01, v2;
	vm0 =	vlt.u32 v40, v15;
	v23 =	vadd.s32 v21, v20  }
0xd9: {  	v32 =	vor.u32 $0x1, v18;
	v31 =	vsel vm0, v41, v18;
	v23 =	vshrl.u32 v23, $0x1  }
0xda: {  	v32 =	vsel vm0, v32, v19;
	v18 =	vadd.s32 $0x1, v39;
	vm0 =	vlt.u32 v42, v14;
	v33 =	vld.idx.msk [tilespmem:v30+s4+$0x0], $0xffff  }
0xdb: {  	s29 =	sadd.s32 $0x40, s29;
	v34 =	vadd.s32 $0xFFFFFFFF, v32;
	v18 =	vsel vm0, v18, v36;
	v19 =	vsel vm0, v37, v39  }
0xdc: {  	v34 =	vadd.s32 v34, v31  }
0xdd: {  	v34 =	vadd.s32 $0x1, v34  }
0xde: {  	v34 =	vshrl.u32 v34, $0x1;
	_ =	sdelay $0x3  }
0xdf: {  	v35 =	vor.u32 $0x1, v22;
	vm0 =	vlt.u32 v24, v11  }
0xe0: {  	v17 =	vsel vm0, v35, v17;
	v16 =	vsel vm0, v16, v22;
	v51 =	vld.idx.msk [tilespmem:v34+s4+$0x0], $0xffff  }
0xe1: {  	v22 =	vxor.u32 v16, v17  }
0xe2: {  	v50 =	vand.u32 v16, v17;
	v22 =	vshrl.u32 v22, $0x1  }
0xe3: {  	v22 =	vadd.s32 v22, v50;
	_ =	sdelay $0x1  }
0xe4: {  	v52 =	vor.u32 $0x1, v34;
	vm10 =	vlt.u32 v51, v15  }
0xe5: {  	v24 =	vsel vm10, v52, v32  }
0xe6: {  	v54 =	vsel vm10, v31, v34;
	v32 =	vadd.s32 $0xFFFFFFFF, v24  }
0xe7: {  	v53 =	vld.idx.msk [tilespmem:v22+s4+$0x0], $0xffff;
	v34 =	vxor.u32 v32, v54  }
0xe8: {  	v32 =	vor.u32 v32, v54;
	v34 =	vshrl.u32 v34, $0x1  }
0xe9: {  	v32 =	vsub.s32 v32, v34;
	_ =	sdelay $0x2  }
0xea: {  	v55 =	vadd.s32 $0x1, v22;
	vm11 =	vlt.u32 v53, v11  }
0xeb: {  	v17 =	vsel vm11, v55, v17;
	v16 =	vsel vm11, v16, v22  }
0xec: {  	v22 =	vadd.s32 v16, v17;
	v56 =	vld.idx.msk [tilespmem:v32+s4+$0x0], $0xffff  }
0xed: {  	v22 =	vshrl.u32 v22, $0x1;
	_ =	sdelay $0x3  }
0xee: {  	v58 =	vadd.s32 $0x1, v32;
	vm12 =	vlt.u32 v56, v15  }
0xef: {  	v57 =	vld.idx.msk [tilespmem:v22+s4+$0x0], $0xffff;
	v24 =	vsel vm12, v58, v24;
	v31 =	vsel vm12, v54, v32  }
0xf0: {  	v60 =	vadd.s32 v31, v24  }
0xf1: {  	v61 =	vshrl.u32 v60, $0x1  }
0xf2: {  	v59 =	vadd.s32 $0x1, v30;
	v63 =	vld.idx.msk [tilespmem:v27+s4+$0x0], $0xffff;
	vm13 =	vlt.u32 v33, v13  }
0xf3: {  	v28 =	vsel vm13, v59, v28  }
0xf4: {  	v29 =	vsel vm13, v29, v30;
	v62 =	vadd.s32 $0x1, v22;
	vm14 =	vlt.u32 v57, v11  }
0xf5: {  	v32 =	vadd.s32 v29, v28;
	v17 =	vsel vm14, v62, v17;
	v16 =	vsel vm14, v16, v22  }
0xf6: {  	v32 =	vshrl.u32 v32, $0x1;
	v33 =	vadd.s32 v16, v17;
	v36 =	vld.idx.msk [tilespmem:v61+s4+$0x0], $0xffff  }
0xf7: {  	v38 =	vadd.s32 $0x1, v27;
	vm15 =	vlt.u32 v63, v8;
	v33 =	vshrl.u32 v33, $0x1  }
0xf8: {  	v25 =	vsel vm15, v25, v27;
	v22 =	vsel vm15, v38, v26  }
0xf9: {  	v27 =	vadd.s32 v25, v22  }
0xfa: {  	v27 =	vshrl.u32 v27, $0x1  }
0xfb: {  	v40 =	vadd.s32 $0x1, v61;
	v37 =	vld.idx.msk [tilespmem:v32+s4+$0x0], $0xffff;
	vm4 =	vlt.u32 v36, v15  }
0xfc: {  	v39 =	vld.idx.msk [tilespmem:v33+s4+$0x0], $0xffff;
	v24 =	vsel vm4, v40, v24;
	v30 =	vsel vm4, v31, v61  }
0xfd: {  	v34 =	vadd.s32 v30, v24  }
0xfe: {  	v42 =	vshrl.u32 v34, $0x1  }
0xff: {  	v44 =	vld.idx.msk [tilespmem:v27+s4+$0x0], $0xffff  }
0x100: {  	v41 =	vadd.s32 $0x1, v32;
	v43 =	vadd.s32 $0x1, v33;
	vm5 =	vlt.u32 v37, v13  }
0x101: {  	v28 =	vsel vm5, v41, v28;
	v29 =	vsel vm5, v29, v32;
	vm6 =	vlt.u32 v39, v11  }
0x102: {  	v50 =	vld.idx.msk [tilespmem:v23+s4+$0x0], $0xffff;
	v32 =	vadd.s32 v29, v28;
	v17 =	vsel vm6, v43, v17;
	v16 =	vsel vm6, v16, v33  }
0x103: {  	v32 =	vshrl.u32 v32, $0x1;
	v33 =	vadd.s32 v16, v17;
	v34 =	vld.idx.msk [tilespmem:v42+s4+$0x0], $0xffff  }
0x104: {  	v46 =	vadd.s32 $0x1, v27;
	vm7 =	vlt.u32 v44, v8;
	v33 =	vshrl.u32 v33, $0x1  }
0x105: {  	v22 =	vsel vm7, v46, v22;
	v25 =	vsel vm7, v25, v27  }
0x106: {  	v27 =	vadd.s32 v25, v22  }
0x107: {  	vm11 =	vlt.u32 v50, v10;
	v55 =	vadd.s32 $0x1, v23;
	v27 =	vshrl.u32 v27, $0x1  }
0x108: {  	v20 =	vsel vm11, v55, v20;
	v48 =	vadd.s32 $0x1, v42;
	v45 =	vld.idx.msk [tilespmem:v32+s4+$0x0], $0xffff;
	vm8 =	vlt.u32 v34, v15  }
0x109: {  	v21 =	vsel vm11, v21, v23;
	v47 =	vld.idx.msk [tilespmem:v33+s4+$0x0], $0xffff;
	v24 =	vsel vm8, v48, v24;
	v30 =	vsel vm8, v30, v42  }
0x10a: {  	v21 =	vadd.s32 v21, v20;
	v34 =	vadd.s32 v30, v24  }
0x10b: {  	v21 =	vshrl.u32 v21, $0x1;
	v51 =	vshrl.u32 v34, $0x1  }
0x10c: {  	v21 =	vmin.u32 v21, $0x7FF;
	v53 =	vld.idx.msk [tilespmem:v27+s4+$0x0], $0xffff  }
0x10d: {  	v49 =	vadd.s32 $0x1, v32;
	v52 =	vadd.s32 $0x1, v33;
	vm9 =	vlt.u32 v45, v13  }
0x10e: {  	v28 =	vsel vm9, v49, v28;
	v29 =	vsel vm9, v29, v32;
	vm10 =	vlt.u32 v47, v11  }
0x10f: {  	v32 =	vadd.s32 v29, v28;
	v17 =	vsel vm10, v52, v17;
	v16 =	vsel vm10, v16, v33  }
0x110: {  	v54 =	vadd.s32 v19, v18;
	v32 =	vshrl.u32 v32, $0x1;
	v33 =	vadd.s32 v16, v17;
	v36 =	vld.idx.msk [tilespmem:v51+s4+$0x0], $0xffff  }
0x111: {  	v57 =	vadd.s32 $0x1, v27;
	vm12 =	vlt.u32 v53, v8;
	v33 =	vshrl.u32 v33, $0x1  }
0x112: {  	v37 =	vld.idx.msk [tilespmem:v21+s4+$0x0], $0xffff;
	v22 =	vsel vm12, v57, v22;
	v25 =	vsel vm12, v25, v27;
	v34 =	vshrl.u32 v54, $0x1  }
0x113: {  	v27 =	vadd.s32 v25, v22  }
0x114: {  	v27 =	vshrl.u32 v27, $0x1  }
0x115: {  	v59 =	vadd.s32 $0x1, v51;
	v56 =	vld.idx.msk [tilespmem:v32+s4+$0x0], $0xffff;
	vm13 =	vlt.u32 v36, v15  }
0x116: {  	v58 =	vld.idx.msk [tilespmem:v33+s4+$0x0], $0xffff;
	v24 =	vsel vm13, v59, v24;
	v30 =	vsel vm13, v30, v51  }
0x117: {  	v21 =	vadd.s32 $0x1, v21;
	vm5 =	vlt.u32 v37, v10;
	v60 =	vld.idx.msk [tilespmem:v34+s4+$0x0], $0xffff;
	v62 =	vadd.s32 v30, v24  }
0x118: {  	v20 =	vsel vm5, v21, v20;
	v23 =	vshrl.u32 v62, $0x1  }
0x119: {  	v47 =	vmin.u32 v20, $0x7FF;
	v39 =	vld.idx.msk [tilespmem:v27+s4+$0x0], $0xffff  }
0x11a: {  	v61 =	vadd.s32 $0x1, v32;
	v63 =	vadd.s32 $0x1, v33;
	vm14 =	vlt.u32 v56, v13  }
0x11b: {  	v38 =	vadd.s32 $0x1, v34;
	v46 =	vadd.s32 $0x1, v27;
	v28 =	vsel vm14, v61, v28  }
0x11c: {  	v29 =	vsel vm14, v29, v32;
	vm15 =	vlt.u32 v58, v11;
	vm4 =	vlt.u32 v60, v14  }
0x11d: {  	v31 =	vadd.s32 v29, v28;
	v17 =	vsel vm15, v63, v17;
	v16 =	vsel vm15, v16, v33;
	v44 =	vld.idx.msk [tilespmem:v23+s4+$0x0], $0xffff  }
0x11e: {  	vm6 =	vlt.u32 v39, v8;
	v31 =	vshrl.u32 v31, $0x1;
	v40 =	vadd.s32 v16, v17  }
0x11f: {  	v41 =	vsel vm4, v38, v18;
	v42 =	vsel vm4, v19, v34;
	v43 =	vshrl.u32 v40, $0x1  }
0x120: {  	v21 =	vsel vm6, v46, v22;
	v48 =	vsel vm6, v25, v27;
	v19 =	vadd.s32 v42, v41  }
0x121: {  	v27 =	vadd.s32 v48, v21;
	v19 =	vshrl.u32 v19, $0x1  }
0x122: {  	v19 =	vmin.u32 v19, $0xFFF;
	v50 =	vadd.s32 $0x1, v23;
	vm7 =	vlt.u32 v44, v15  }
0x123: {  	v27 =	vshrl.u32 v27, $0x1;
	v45 =	vld.idx.msk [tilespmem:v31+s4+$0x0], $0xffff;
	v24 =	vsel vm7, v50, v24;
	v23 =	vsel vm7, v30, v23  }
0x124: {  	v49 =	vld.idx.msk [tilespmem:v43+s4+$0x0], $0xffff;
	v52 =	vadd.s32 v23, v24  }
0x125: {  	v60 =	vld.idx.msk [tilespmem:v47+s10+$0x0], $0xffff;
	v54 =	vshrl.u32 v52, $0x1  }
0x126: {  	vm11 =	veq.s32 v20, $0x0;
	v57 =	vmax.u32 v20, $0x1;
	v39 =	vld.idx.msk [tilespmem:v47+s4+$0x0], $0xffff  }
0x127: {  	vm1 =	veq.s32 v20, $0x800;
	v32 =	vsub.s32 v57, v4;
	v51 =	vadd.s32 $0x1, v31;
	v53 =	vld.idx.msk [tilespmem:v19+s4+$0x0], $0xffff  }
0x128: {  	v55 =	vadd.s32 $0x1, v43;
	v37 =	vadd.s32 $0x1, v27;
	v56 =	vld.idx.msk [tilespmem:v27+s4+$0x0], $0xffff;
	vm8 =	vlt.u32 v45, v13  }
0x129: {  	v28 =	vsel vm8, v51, v28;
	v29 =	vsel vm8, v29, v31;
	vm9 =	vlt.u32 v49, v11  }
0x12a: {  	v31 =	vadd.s32 v29, v28;
	v17 =	vsel vm9, v55, v17;
	v16 =	vsel vm9, v16, v43;
	v59 =	vld.idx.msk [tilespmem:v54+s4+$0x0], $0xffff  }
0x12b: {  	v58 =	vadd.s32 $0x1, v19;
	v31 =	vshrl.u32 v31, $0x1;
	v26 =	vadd.s32 v16, v17  }
0x12c: {  	v18 =	vand.u32 $0xFFF, v60;
	v42 =	vld.idx.msk [tilespmem:v32+s10+$0x0], $0xffff;
	vm10 =	vlt.u32 v53, v14;
	v26 =	vshrl.u32 v26, $0x1  }
0x12d: {  	vm2 =	vlt.u32 v56, v8;
	v51 =	vand.u32 $0x7FFFFFFF, v39;
	v14 =	vsel vm10, v58, v41;
	v41 =	vld.idx.msk [tilespmem:v32+s4+$0x0], $0xffff  }
0x12e: {  	v20 =	vsel vm2, v37, v21;
	v22 =	vsel vm2, v48, v27;
	v61 =	vmin.u32 v14, $0xFFF  }
0x12f: {  	v62 =	vmax.u32 v14, $0x801;
	v40 =	vadd.s32 $0x1, v54;
	vm12 =	vlt.u32 v59, v15  }
0x130: {  	v35 =	vadd.s32 $0xFFFFFFFF, v62;
	v63 =	vld.idx.msk [tilespmem:v31+s4+$0x0], $0xffff;
	v24 =	vsel vm12, v40, v24;
	v23 =	vsel vm12, v23, v54  }
0x131: {  	v53 =	vand.u32 $0xFFF, v42;
	vm14 =	veq.s32 v14, $0x800;
	v38 =	vld.idx.msk [tilespmem:v26+s4+$0x0], $0xffff;
	v44 =	vadd.s32 v23, v24  }
0x132: {  	v52 =	vadd.s32 v22, v20;
	v50 =	vand.u32 $0x7FFFFFFF, v41;
	v46 =	vshrl.u32 v44, $0x1  }
0x133: {  	vm15 =	veq.s32 v14, $0x1000;
	v21 =	vshrl.u32 v52, $0x1;
	v49 =	vld.idx.msk [tilespmem:v61+s4+$0x0], $0xffff;
	v14 =	vsub.f32 v50, v10  }
0x134: {  	v27 =	vmin.u32 v53, v18;
	v43 =	vadd.s32 $0x1, v31;
	v55 =	vmin.u32 v21, $0x7FF;
	v45 =	vld.idx.msk [tilespmem:v61+s10+$0x0], $0xffff  }
0x135: {  	v48 =	vadd.s32 $0x1, v26;
	v39 =	vadd.s32 $0x1, v55;
	v47 =	vld.idx.msk [tilespmem:v35+s4+$0x0], $0xffff;
	v14 =	vand.u32 $0x7FFFFFFF, v14  }
0x136: {  	v58 =	vld.idx.msk [tilespmem:v35+s10+$0x0], $0xffff;
	v14 =	vsel vm11, $0x7F800000, v14;
	vm13 =	vlt.u32 v63, v13;
	vm3 =	vlt.u32 v38, v11  }
0x137: {  	v28 =	vsel vm13, v43, v28;
	v17 =	vsel vm3, v48, v17;
	v16 =	vsel vm3, v16, v26;
	v56 =	vld.idx.msk [tilespmem:v46+s4+$0x0], $0xffff  }
0x138: {  	v29 =	vsel vm13, v29, v31;
	v32 =	vand.u32 $0x7FFFFFFF, v49;
	v57 =	vadd.s32 v16, v17  }
0x139: {  	v60 =	vld.idx.msk [tilespmem:v55+s4+$0x0], $0xffff;
	v33 =	vand.u32 $0xFFF, v45;
	v54 =	vsub.f32 v51, v10;
	v25 =	vshrl.u32 v57, $0x1  }
0x13a: {  	v31 =	vand.u32 $0x7FFFFFFF, v47;
	v59 =	vsub.f32 v32, v9;
	v29 =	vadd.s32 v29, v28  }
0x13b: {  	v26 =	vand.u32 $0xFFF, v58;
	v31 =	vsub.f32 v31, v9;
	v29 =	vshrl.u32 v29, $0x1  }
0x13c: {  	v29 =	vmin.u32 v29, $0xFFF;
	v61 =	vadd.s32 $0x1, v46;
	vm6 =	vlt.u32 v56, v15  }
0x13d: {  	v37 =	vmin.u32 v26, v33;
	v21 =	vsel vm6, v61, v24;
	v23 =	vsel vm6, v23, v46  }
0x13e: {  	vm8 =	vlt.u32 v60, v8;
	v10 =	vand.u32 $0x7FFFFFFF, v54;
	v62 =	vld.idx.msk [tilespmem:v25+s4+$0x0], $0xffff;
	v36 =	vadd.s32 v23, v21  }
0x13f: {  	v9 =	vand.u32 $0x7FFFFFFF, v59;
	v63 =	vand.u32 $0x7FFFFFFF, v31;
	v31 =	vshrl.u32 v36, $0x1  }
0x140: {  	v10 =	vsel vm1, $0x7F800000, v10;
	v9 =	vsel vm15, $0x7F800000, v9;
	v40 =	vadd.s32 $0x1, v25  }
0x141: {  	vm0 =	vlt.f32 v14, v10;
	vm7 =	vlt.f32 v10, v14;
	v14 =	vsel vm8, v39, v20;
	v38 =	vld.idx.msk [tilespmem:v29+s4+$0x0], $0xffff  }
0x142: {  	v43 =	vadd.s32 $0x1, v29;
	v30 =	vsel vm14, $0x7F800000, v63;
	v20 =	vmin.u32 v14, $0x7FF  }
0x143: {  	vm10 =	vlt.f32 v9, v30;
	v41 =	vmax.u32 v14, $0x1;
	vm9 =	vlt.u32 v62, v11  }
0x144: {  	v18 =	vsel vm7, v18, v27;
	v17 =	vsel vm9, v40, v17;
	v16 =	vsel vm9, v16, v25;
	v42 =	vld.idx.msk [tilespmem:v31+s4+$0x0], $0xffff  }
0x145: {  	vm3 =	vlt.f32 v30, v9;
	v19 =	vsub.s32 v41, v4;
	v16 =	vadd.s32 v16, v17  }
0x146: {  	vm13 =	veq.s32 v14, $0x0;
	vm11 =	vlt.u32 v38, v13;
	v16 =	vshrl.u32 v16, $0x1  }
0x147: {  	v45 =	vsel vm10, v33, v37;
	v10 =	vsel vm11, v43, v28;
	v44 =	vmin.u32 v16, $0x7FF  }
0x148: {  	vm14 =	veq.s32 v14, $0x800;
	v9 =	vsel vm3, v26, v45;
	v48 =	vld.idx.msk [tilespmem:v20+s10+$0x0], $0xffff;
	v47 =	vmin.u32 v10, $0xFFF  }
0x149: {  	v20 =	vld.idx.msk [tilespmem:v20+s4+$0x0], $0xffff;
	v49 =	vmax.u32 v10, $0x801;
	v50 =	vadd.s32 $0x1, v31;
	vm12 =	vlt.u32 v42, v15  }
0x14a: {  	v51 =	vld.idx.msk [tilespmem:v19+s10+$0x0], $0xffff;
	v25 =	vadd.s32 $0xFFFFFFFF, v49;
	v21 =	vsel vm12, v50, v21;
	v23 =	vsel vm12, v23, v31  }
0x14b: {  	v19 =	vld.idx.msk [tilespmem:v19+s4+$0x0], $0xffff;
	v46 =	vsel vm0, v53, v18;
	v53 =	vshrl.u32 v9, $0x7;
	v23 =	vadd.s32 v23, v21  }
0x14c: {  	v9 =	vand.u32 $0x7F, v9;
	v52 =	vshll.u32 v46, $0x1;
	v54 =	vld.idx.msk [tilespmem:v44+s4+$0x0], $0xffff;
	v23 =	vshrl.u32 v23, $0x1  }
0x14d: {  	v27 =	vadd.s32 $0x3FFFF0, v53;
	vm1 =	veq.s32 v10, $0x800;
	v23 =	vmin.u32 v23, $0xFFF  }
0x14e: {  	vm6 =	veq.s32 v10, $0x1000;
	v24 =	vand.u32 $0x1FF0, v52;
	v57 =	vand.u32 $0xFFF, v48;
	v18 =	vld.idx.msk [tilespmem:v47+s4+$0x0], $0xffff  }
0x14f: {  	v59 =	vand.u32 $0x7FFFFFFF, v20;
	v24 =	vadd.s32 v24, v27;
	v16 =	vshll.u32 v46, $0x7;
	v56 =	vld.idx.msk [tilespmem:v25+s4+$0x0], $0xffff  }
0x150: {  	v58 =	vand.u32 $0x7FFFFFFF, v19;
	v60 =	vand.u32 $0xFFF, v51;
	v13 =	vadd.s32 $0x1, v44  }
0x151: {  	v10 =	vsub.f32 v58, v8;
	v8 =	vsub.f32 v59, v8;
	vm15 =	vlt.u32 v54, v11  }
0x152: {  	v24 =	vshll.u32 v24, $0xA;
	v16 =	vand.u32 $0x380, v16;
	v13 =	vsel vm15, v13, v17;
	v61 =	vld.idx.msk [tilespmem:v23+s4+$0x0], $0xffff  }
0x153: {  	v63 =	vmin.u32 v60, v57;
	v8 =	vand.u32 $0x7FFFFFFF, v8;
	v33 =	vmin.u32 v13, $0x7FF  }
0x154: {  	v18 =	vand.u32 $0x7FFFFFFF, v18;
	v31 =	vand.u32 $0x7FFFFFFF, v56;
	v34 =	vmax.u32 v13, $0x1  }
0x155: {  	v62 =	vld.idx.msk [tilespmem:v25+s10+$0x0], $0xffff;
	v25 =	vsub.f32 v31, v7;
	v7 =	vsub.f32 v18, v7;
	v18 =	vsub.s32 v34, v4  }
0x156: {  	v16 =	vor.u32 v16, v24;
	v55 =	vld.idx.msk [tilespmem:v47+s10+$0x0], $0xffff;
	v10 =	vand.u32 $0x7FFFFFFF, v10;
	v8 =	vsel vm14, $0x7F800000, v8  }
0x157: {  	v10 =	vsel vm13, $0x7F800000, v10;
	v35 =	vadd.s32 $0x1, v23;
	vm7 =	vlt.u32 v61, v15  }
0x158: {  	vm0 =	vlt.f32 v10, v8;
	vm8 =	vlt.f32 v8, v10;
	v40 =	vld.idx.msk [tilespmem:v33+s10+$0x0], $0xffff;
	v15 =	vsel vm7, v35, v21  }
0x159: {  	v10 =	vsel vm8, v57, v63;
	v27 =	vld.idx.msk [tilespmem:v33+s4+$0x0], $0xffff;
	v38 =	vmin.u32 v15, $0xFFF;
	v41 =	vmax.u32 v15, $0x801  }
0x15a: {  	v9 =	vor.u32 v9, v16;
	v10 =	vsel vm0, v60, v10;
	v42 =	vld.idx.msk [tilespmem:v18+s4+$0x0], $0xffff;
	v28 =	vadd.s32 $0xFFFFFFFF, v41  }
0x15b: {  	v32 =	vand.u32 $0xFFF, v55;
	v44 =	vshll.u32 v10, $0x1;
	v10 =	vshll.u32 v10, $0x7;
	v8 =	vld.idx.msk [tilespmem:v18+s10+$0x0], $0xffff  }
0x15c: {  	v36 =	vand.u32 $0xFFF, v62;
	v47 =	vand.u32 $0x1FF0, v44;
	v10 =	vand.u32 $0x380, v10  }
0x15d: {  	v39 =	vmin.u32 v36, v32;
	vm11 =	veq.s32 v13, $0x0;
	v7 =	vand.u32 $0x7FFFFFFF, v7  }
0x15e: {  	vm12 =	veq.s32 v13, $0x800;
	v37 =	vand.u32 $0x7FFFFFFF, v25;
	v7 =	vsel vm6, $0x7F800000, v7;
	v46 =	vld.idx.msk [tilespmem:v38+s4+$0x0], $0xffff  }
0x15f: {  	v51 =	vand.u32 $0xFFF, v40;
	v52 =	vand.u32 $0x7FFFFFFF, v27;
	v14 =	vand.u32 $0x7FFFFFFF, v42;
	v49 =	vld.idx.msk [tilespmem:v28+s4+$0x0], $0xffff  }
0x160: {  	v8 =	vand.u32 $0xFFF, v8;
	v53 =	vsub.f32 v52, v11;
	v21 =	vsel vm1, $0x7F800000, v37  }
0x161: {  	v14 =	vsub.f32 v14, v11;
	v54 =	vmin.u32 v8, v51;
	vm9 =	vlt.f32 v7, v21  }
0x162: {  	vm10 =	vlt.f32 v21, v7;
	vm13 =	veq.s32 v15, $0x800;
	v11 =	vand.u32 $0x7FFFFFFF, v53;
	v43 =	vld.idx.msk [tilespmem:v38+s10+$0x0], $0xffff  }
0x163: {  	v7 =	vsel vm9, v32, v39;
	v14 =	vand.u32 $0x7FFFFFFF, v14;
	v11 =	vsel vm12, $0x7F800000, v11;
	v50 =	vld.idx.msk [tilespmem:v28+s10+$0x0], $0xffff  }
0x164: {  	v7 =	vsel vm10, v36, v7;
	v20 =	vand.u32 $0x7FFFFFFF, v46;
	v19 =	vand.u32 $0x7FFFFFFF, v49  }
0x165: {  	v14 =	vsel vm11, $0x7F800000, v14;
	v55 =	vsub.f32 v20, v12;
	v19 =	vsub.f32 v19, v12  }
0x166: {  	vm14 =	veq.s32 v15, $0x1000;
	v45 =	vshrl.u32 v7, $0x7;
	vm0 =	vlt.f32 v14, v11  }
0x167: {  	v17 =	vand.u32 $0xFFF, v43;
	v12 =	vand.u32 $0x7FFFFFFF, v55;
	v19 =	vand.u32 $0x7FFFFFFF, v19  }
0x168: {  	v13 =	vand.u32 $0xFFF, v50;
	v12 =	vsel vm14, $0x7F800000, v12;
	v19 =	vsel vm13, $0x7F800000, v19  }
0x169: {  	vm1 =	vlt.f32 v11, v14;
	v56 =	vmin.u32 v13, v17;
	vm2 =	vlt.f32 v12, v19  }
0x16a: {  	v11 =	vsel vm1, v51, v54;
	vm15 =	vlt.f32 v19, v12;
	v57 =	vsel vm2, v17, v56  }
0x16b: {  	v7 =	vand.u32 $0x7F, v7;
	v8 =	vsel vm0, v8, v11;
	v58 =	vsel vm15, v13, v57  }
0x16c: {  	v48 =	vadd.s32 $0x3FFFF0, v45;
	v60 =	vshll.u32 v8, $0x1;
	v61 =	vshrl.u32 v58, $0x7  }
0x16d: {  	v16 =	vadd.s32 v47, v48;
	v13 =	vand.u32 $0x1FF0, v60;
	v14 =	vadd.s32 $0x3FFFF0, v61  }
0x16e: {  	v59 =	vshll.u32 v16, $0xA;
	v8 =	vshll.u32 v8, $0x7;
	v62 =	vadd.s32 v13, v14  }
0x16f: {  	v10 =	vor.u32 v10, v59;
	v8 =	vand.u32 $0x380, v8;
	v12 =	vshll.u32 v62, $0xA  }
0x170: {  	[tilespmem:s25+$0x2400] =	vst v9;
	v7 =	vor.u32 v7, v10;
	v63 =	vand.u32 $0x7F, v58;
	v8 =	vor.u32 v8, v12  }
0x171: {  	[tilespmem:s26+$0x2400] =	vst v7;
	v7 =	vor.u32 v63, v8  }
0x172: {  	[tilespmem:s28+$0x2400] =	vst v7  }
0x173: {  	[tilespmem:s16], [sflag:$0x1] =	stream.indirect.gather [hbm4b:s2+s14], $0x1, s15, s14, $0xb8;
	[tilespmem:$0x2800] =	vst v63  }
0x174: {  	_ = 	snop  }
0x175: {  	[tilespmem:s18], [sflag:$0x1] =	stream.indirect.gather [hbm4b:s2+s14], $0x1, s17, s14, $0xb8;
	[tilespmem:$0x2800] =	vst v63  }
0x176: {  	_ = 	snop  }
0x177: {  	[tilespmem:s20], [sflag:$0x1] =	stream.indirect.gather [hbm4b:s2+s14], $0x1, s19, s14, $0xb8;
	[tilespmem:$0x2800] =	vst v63  }
0x178: {  	_ = 	snop  }
0x179: {  	[tilespmem:s22], [sflag:$0x1] =	stream.indirect.gather [hbm4b:s2+s14], $0x1, s21, s14, $0xb8;
	[tilespmem:$0x2800] =	vst v63  }
0x17a: {  	_ =	swait.ge [sflag:s13], $0x80  }
0x17b: {  	[sflag:s13] =	ssyncset.done $0x0  }
0x17c: {  	[sflag:s13] =	ssyncadd.s32 $0xFFFFFF80  }
0x17d: {  	_ =	swait.ge [sflag:s13], $0x80  }
0x17e: {  	[sflag:s13] =	ssyncset.done $0x0  }
0x17f: {  	[sflag:s13] =	ssyncadd.s32 $0xFFFFFF80  }
0x180: {  	_ =	swait.ge [sflag:s13], $0x80  }
0x181: {  	[sflag:s13] =	ssyncset.done $0x0  }
0x182: {  	[sflag:s13] =	ssyncadd.s32 $0xFFFFFF80  }
0x183: {  	s24 =	sadd.s32 $0x1, s24;
	_ =	swait.ge [sflag:s13], $0x80  }
0x184: {  	p0 =	sne.s32 s24, s9;
	[sflag:s13] =	ssyncset.done $0x0  }
.Ltmp1:
0x185: {  	[sflag:s13] =	ssyncadd.s32 $0xFFFFFF80;
	(pc) =	sbr.rel @p0 .LBB2_1-.Ltmp1, $4  }
0x186: {  	[hbm4b:s8+s4] =	stream.linear.scatter [tilespmem:s16], [sflag:$0x2], $0x200, $0x38;
	[tilespmem:$0x2800] =	vst v63  }
0x187: {  	_ =	swait.ge [sflag:s23], $0x200  }
0x188: {  	[sflag:s23] =	ssyncset.done $0x0  }
0x189: {  	[sflag:s23] =	ssyncadd.s32 $0xFFFFFE00  }
0x18a: {  	_ =	sfence.sel $0x180000  }
0x18b: {  	[bflag:$0x0] =	sbarrier.arrive $0xFFFF  }
0x18c: {  	p0 =	sne.s32 s3, $0x0;
	_ =	strace $0x90000047  }
0x18d: {  	s0 =	sadd.s32 @!p0 $0x100000, s0;
	[bflag:$0x2] =	sbarrier.arrive $0xFFFF  }
0x18e: {  	[sflag:s0] =	ssyncadd.tile.s32 @!p0 $0x1;
	_ =	shalt  }
.Lfunc_end2:
_tile_overlayer_lowered:
.L_overlay_start_2:
0x18f: {  	(tag) =	ssettag $0x2  }
0x190: {  	s0 =	rddreg [dreg:$0x0];
	s2 =	stileid.u32  }
0x191: {  	s1 =	rddreg [dreg:$0x1];
	p0 =	sne.s32 s2, $0x0  }
0x192: {  	s3 =	rddreg [dreg:$0x2];
	[bflag:$0x3] =	sbarrier.arrive $0xFFFF;
	s2 =	simm.s32 @!p0 $0x1C02  }
0x193: {  	[timem:s3], [sflag:s2] =	dma.local @!p0 [hbm:s0], s1  }
0x194: {  	s0 =	simm.s32 @!p0 $0x2  }
0x195: {  	_ =	swait.ge @!p0 [sflag:s0], s1  }
0x196: {  	s1 =	ssub.s32 @!p0 $0x0, s1;
	[sflag:s0] =	ssyncset.done @!p0 $0x0  }
0x197: {  	[sflag:s0] =	ssyncadd.s32 @!p0 s1  }
0x198: {  	[bflag:$0x3] =	sbarrier.arrive $0xFFFF  }
0x199: {  	_ =	shalt  }

</sc_bundles>
